<compile_context>
chip_gen: v7x
topology: tpu7x:2x2x1
jax: 0.10.2.dev20260603
libtpu: 0.0.44.dev20260713+nightly
codegen_flags: <defaults>
</compile_context>

<pallas_src>
import functools

import numpy as np
import jax
import jax.numpy as jnp
from jax import lax
from jax.experimental import pallas as pl
from jax.experimental.pallas import tpu as pltpu
from jax.experimental.pallas import tpu_sc as plsc

_NC = 2
_NS = 16
_NW = _NC * _NS
_LANES = 16

_CHUNK = 128
_NSLOT = 3


def _positional_encoding_np(seq_len: int, d_model: int) -> np.ndarray:
    position = np.arange(seq_len, dtype=np.float32)[:, None]
    div_term = np.exp(
        np.arange(0, d_model, 2, dtype=np.float32) * (-(np.log(10000.0) / d_model))
    )
    pe = np.zeros((seq_len, d_model), dtype=np.float32)
    pe[:, 0::2] = np.sin(position * div_term)
    pe[:, 1::2] = np.cos(position * div_term)
    return pe


def _sc_embed(tok_idx, comb_idx, token_table, comb_table):
    n_chunks, per_w = tok_idx.shape[1], tok_idx.shape[1] * _CHUNK
    d = token_table.shape[1]
    n = _NW * per_w
    n_ring = (n_chunks // _NSLOT) * _NSLOT

    mesh = plsc.VectorSubcoreMesh(core_axis_name="c", subcore_axis_name="s")

    @functools.partial(
        pl.kernel,
        mesh=mesh,
        out_type=jax.ShapeDtypeStruct((n, d), jnp.float32),
        scratch_types=[
            pltpu.VMEM((n_chunks, _CHUNK), jnp.int32),
            pltpu.VMEM((n_chunks, _CHUNK), jnp.int32),
        ]
        + [pltpu.VMEM((_CHUNK, d), jnp.float32)] * (2 * _NSLOT)
        + [pltpu.SemaphoreType.DMA] * (2 * _NSLOT),
    )
    def k(tok_idx_hbm, comb_idx_hbm, table_hbm, comb_hbm, out_hbm,
          tidx_v, cidx_v, *bufs_and_sems):
        toks = bufs_and_sems[0:_NSLOT]
        combs = bufs_and_sems[_NSLOT:2 * _NSLOT]
        gsems = bufs_and_sems[2 * _NSLOT:3 * _NSLOT]
        osems = bufs_and_sems[3 * _NSLOT:]
        wid = lax.axis_index("s") * _NC + lax.axis_index("c")
        base = wid * per_w
        pltpu.sync_copy(tok_idx_hbm.at[wid], tidx_v)
        pltpu.sync_copy(comb_idx_hbm.at[wid], cidx_v)

        def issue_g(c, s):
            pltpu.async_copy(table_hbm.at[tidx_v.at[c]], toks[s], gsems[s])
            pltpu.async_copy(comb_hbm.at[cidx_v.at[c]], combs[s], gsems[s])

        def wait_g(s):
            pltpu.make_async_copy(
                table_hbm.at[tidx_v.at[0]], toks[s], gsems[s]).wait()
            pltpu.make_async_copy(
                comb_hbm.at[cidx_v.at[0]], combs[s], gsems[s]).wait()

        def start_o(c, s):
            pltpu.async_copy(
                toks[s], out_hbm.at[pl.ds(base + c * _CHUNK, _CHUNK)], osems[s])

        def wait_o(s):
            pltpu.make_async_copy(
                toks[s], out_hbm.at[pl.ds(0, _CHUNK)], osems[s]).wait()

        def add_chunk(tok_b, comb_b):
            def add_body(j, carry):
                for r in range(2):
                    i = 2 * j + r
                    for kk in range(d // _LANES):
                        sl = pl.ds(kk * _LANES, _LANES)
                        plsc.addupdate(tok_b.at[i, sl], comb_b[i, sl])
                return carry
            lax.fori_loop(0, _CHUNK // 2, add_body, 0)

        def process(c, s):
            wait_g(s)
            add_chunk(toks[s], combs[s])
            start_o(c, s)

            @pl.when((c >= 1) & (c + 2 < n_chunks))
            def _():
                wait_o((s + 2) % _NSLOT)

            @pl.when(c + 2 < n_chunks)
            def _():
                issue_g(c + 2, (s + 2) % _NSLOT)

        issue_g(0, 0)
        issue_g(1, 1)

        def ring_body(q, carry):
            for b in range(_NSLOT):
                process(_NSLOT * q + b, b)
            return carry

        lax.fori_loop(0, n_chunks // _NSLOT, ring_body, 0)
        for c in range(n_ring, n_chunks):
            s = c % _NSLOT
            wait_g(s)
            add_chunk(toks[s], combs[s])
            start_o(c, s)
        for s in range(_NSLOT):
            wait_o(s)

    return k(tok_idx, comb_idx, token_table, comb_table)


def kernel(sequence, segment_label, token_table, segment_table):
    b, l = sequence.shape
    d = token_table.shape[1]
    n = b * l

    pe = jnp.asarray(_positional_encoding_np(l, d))
    comb = (pe[:, None, :] + segment_table[None, :, :]).reshape(l * 3, d)

    pos3 = (jnp.arange(l, dtype=jnp.int32) * 3)[None, :]
    comb_idx = (pos3 + segment_label.astype(jnp.int32)).reshape(n)
    tok_idx = sequence.astype(jnp.int32).reshape(n)

    rows_per_w = n // _NW
    tok_idx = tok_idx.reshape(_NW, rows_per_w // _CHUNK, _CHUNK)
    comb_idx = comb_idx.reshape(_NW, rows_per_w // _CHUNK, _CHUNK)

    out = _sc_embed(tok_idx, comb_idx, token_table, comb)
    return out.reshape(b, l, d)

# --- scband reference (transcript-rebuilt; emitter-appended) ---
"""Pipeline reference for scband-bertembedding-7576322310940 (READ-ONLY COPY).

The authoritative reference and input builder live on the scoring server;
editing this copy changes nothing except your own understanding.
"""

import jax, jax.numpy as jnp
import numpy as np

B, L = 1024, 200
VOCAB = 100000
D = 128


def _positional_encoding(seq_len, d_model):
    position = jnp.arange(seq_len, dtype=jnp.float32)[:, None]
    div_term = jnp.exp(jnp.arange(0, d_model, 2, dtype=jnp.float32) * (-(np.log(10000.0) / d_model)))
    pe = jnp.zeros((seq_len, d_model), dtype=jnp.float32)
    pe = pe.at[:, 0::2].set(jnp.sin(position * div_term))
    pe = pe.at[:, 1::2].set(jnp.cos(position * div_term))
    return pe


def setup_inputs(seed: int = 0) -> dict:
    key = jax.random.key(seed)
    k1, k2, k3, k4 = jax.random.split(key, 4)
    sequence = jax.random.randint(k1, (B, L), 0, VOCAB, dtype=jnp.int64 if jax.config.jax_enable_x64 else jnp.int32)
    segment_label = jax.random.randint(k2, (B, L), 0, 3, dtype=jnp.int64 if jax.config.jax_enable_x64 else jnp.int32)
    # Learned parameters (padding_idx=0 rows zeroed, as in nn.Embedding(padding_idx=0))
    token_table = jax.random.normal(k3, (VOCAB, D), dtype=jnp.float32) * 0.02
    token_table = token_table.at[0].set(0.0)
    segment_table = jax.random.normal(k4, (3, D), dtype=jnp.float32) * 0.02
    segment_table = segment_table.at[0].set(0.0)
    return {"sequence": sequence, "segment_label": segment_label, "token_table": token_table, "segment_table": segment_table}


def reference(sequence, segment_label, token_table, segment_table):
    # TokenEmbedding: gather from vocab table
    tok = jnp.take(token_table, sequence, axis=0)
    # PositionalEmbedding: fixed sin/cos encoding, broadcast over batch
    pe = _positional_encoding(sequence.shape[1], token_table.shape[1])
    # SegmentEmbedding: gather from small 3-row table
    seg = jnp.take(segment_table, segment_label, axis=0)
    x = tok + pe[None, :, :] + seg
    # dropout is identity in eval mode
    return x

if __name__ == "__main__":
    import jax
    _d = setup_inputs()
    print(jax.jit(kernel)(*tuple(_d.values())))

</pallas_src>

<mosaic_0001>
#map = affine_map<(d0, d1) -> (0, 0, 0)>
#map1 = affine_map<(d0, d1) -> (0, 0)>
module attributes {stable_mosaic.version = 14 : i64} {
  func.func @k(%arg0: i32, %arg1: i32, %arg2: memref<32x50x128xi32, #tpu.memory_space<hbm>>, %arg3: memref<32x50x128xi32, #tpu.memory_space<hbm>>, %arg4: memref<100000x128xf32, #tpu.memory_space<hbm>>, %arg5: memref<600x128xf32, #tpu.memory_space<hbm>>, %arg6: memref<204800x128xf32, #tpu.memory_space<hbm>>, %arg7: memref<50x128xi32, #tpu.memory_space<vmem>>, %arg8: memref<50x128xi32, #tpu.memory_space<vmem>>, %arg9: memref<128x128xf32, #tpu.memory_space<vmem>>, %arg10: memref<128x128xf32, #tpu.memory_space<vmem>>, %arg11: memref<128x128xf32, #tpu.memory_space<vmem>>, %arg12: memref<128x128xf32, #tpu.memory_space<vmem>>, %arg13: memref<128x128xf32, #tpu.memory_space<vmem>>, %arg14: memref<128x128xf32, #tpu.memory_space<vmem>>, %arg15: memref<!tpu.dma_semaphore, #tpu.memory_space<semaphore_mem>>, %arg16: memref<!tpu.dma_semaphore, #tpu.memory_space<semaphore_mem>>, %arg17: memref<!tpu.dma_semaphore, #tpu.memory_space<semaphore_mem>>, %arg18: memref<!tpu.dma_semaphore, #tpu.memory_space<semaphore_mem>>, %arg19: memref<!tpu.dma_semaphore, #tpu.memory_space<semaphore_mem>>, %arg20: memref<!tpu.dma_semaphore, #tpu.memory_space<semaphore_mem>>) attributes {dimension_semantics = [#tpu.dimension_semantics<core_parallel>, #tpu.dimension_semantics<subcore_parallel>], iteration_bounds = array<i64: 2, 16>, scalar_prefetch = 0 : i64, scratch_operands = 14 : i64, tpu.core_type = #tpu.core_type<sc_vector_subcore>, window_params = [{transform_indices = #map}, {transform_indices = #map}, {transform_indices = #map1}, {transform_indices = #map1}, {transform_indices = #map1}]} {
    %mul3A = arith.constant 2 : i32
    %mul3A_0 = arith.muli %arg1, %mul3A : i32
    %add3A = arith.addi %mul3A_0, %arg0 : i32
    %mul3A_1 = arith.constant 6400 : i32
    %mul3A_2 = arith.muli %add3A, %mul3A_1 : i32
    "tpu.region"() ({
      %run_scoped3A = tpu.sem_alloc : memref<!tpu.dma_semaphore, #tpu.memory_space<semaphore_mem>>
      %dma_start3A_104 = arith.constant 0 : i32
      %dma_start3A_105 = arith.constant 0 : i32
      %dma_start3A_106 = tpu.memref_slice %arg2[%add3A, %dma_start3A_104, %dma_start3A_105] : memref<32x50x128xi32, #tpu.memory_space<hbm>> -> memref<1x50x128xi32, #tpu.memory_space<hbm>>
      %dma_start3A_107 = tpu.memref_squeeze %dma_start3A_106 : memref<1x50x128xi32, #tpu.memory_space<hbm>> -> memref<50x128xi32, #tpu.memory_space<hbm>>
      %dma_start3A_108 = arith.constant 0 : i32
      %dma_start3A_109 = arith.constant 0 : i32
      %dma_start3A_110 = tpu.memref_slice %arg2[%add3A, %dma_start3A_108, %dma_start3A_109] : memref<32x50x128xi32, #tpu.memory_space<hbm>> -> memref<1x50x128xi32, #tpu.memory_space<hbm>>
      %dma_start3A_111 = tpu.memref_squeeze %dma_start3A_110 : memref<1x50x128xi32, #tpu.memory_space<hbm>> -> memref<50x128xi32, #tpu.memory_space<hbm>>
      tpu.enqueue_dma source(%dma_start3A_111 : memref<50x128xi32, #tpu.memory_space<hbm>>) target(%arg7 : memref<50x128xi32, #tpu.memory_space<vmem>>) target_semaphore(%run_scoped3A : memref<!tpu.dma_semaphore, #tpu.memory_space<semaphore_mem>>)
      %dma_wait3A_112 = arith.constant 0 : i32
      %dma_wait3A_113 = arith.constant 0 : i32
      %dma_wait3A_114 = tpu.memref_slice %arg2[%add3A, %dma_wait3A_112, %dma_wait3A_113] : memref<32x50x128xi32, #tpu.memory_space<hbm>> -> memref<1x50x128xi32, #tpu.memory_space<hbm>>
      %dma_wait3A_115 = tpu.memref_squeeze %dma_wait3A_114 : memref<1x50x128xi32, #tpu.memory_space<hbm>> -> memref<50x128xi32, #tpu.memory_space<hbm>>
      %dma_wait3A_116 = arith.constant 0 : i32
      %dma_wait3A_117 = arith.constant 0 : i32
      %dma_wait3A_118 = tpu.memref_slice %arg2[%add3A, %dma_wait3A_116, %dma_wait3A_117] : memref<32x50x128xi32, #tpu.memory_space<hbm>> -> memref<1x50x128xi32, #tpu.memory_space<hbm>>
      %dma_wait3A_119 = tpu.memref_squeeze %dma_wait3A_118 : memref<1x50x128xi32, #tpu.memory_space<hbm>> -> memref<50x128xi32, #tpu.memory_space<hbm>>
      tpu.wait_dma2 semaphore(%run_scoped3A : memref<!tpu.dma_semaphore, #tpu.memory_space<semaphore_mem>>) src(%dma_wait3A_119 : memref<50x128xi32, #tpu.memory_space<hbm>>) dst(%arg7 : memref<50x128xi32, #tpu.memory_space<vmem>>)
      tpu.yield
    }) : () -> ()
    "tpu.region"() ({
      %run_scoped3A = tpu.sem_alloc : memref<!tpu.dma_semaphore, #tpu.memory_space<semaphore_mem>>
      %dma_start3A_104 = arith.constant 0 : i32
      %dma_start3A_105 = arith.constant 0 : i32
      %dma_start3A_106 = tpu.memref_slice %arg3[%add3A, %dma_start3A_104, %dma_start3A_105] : memref<32x50x128xi32, #tpu.memory_space<hbm>> -> memref<1x50x128xi32, #tpu.memory_space<hbm>>
      %dma_start3A_107 = tpu.memref_squeeze %dma_start3A_106 : memref<1x50x128xi32, #tpu.memory_space<hbm>> -> memref<50x128xi32, #tpu.memory_space<hbm>>
      %dma_start3A_108 = arith.constant 0 : i32
      %dma_start3A_109 = arith.constant 0 : i32
      %dma_start3A_110 = tpu.memref_slice %arg3[%add3A, %dma_start3A_108, %dma_start3A_109] : memref<32x50x128xi32, #tpu.memory_space<hbm>> -> memref<1x50x128xi32, #tpu.memory_space<hbm>>
      %dma_start3A_111 = tpu.memref_squeeze %dma_start3A_110 : memref<1x50x128xi32, #tpu.memory_space<hbm>> -> memref<50x128xi32, #tpu.memory_space<hbm>>
      tpu.enqueue_dma source(%dma_start3A_111 : memref<50x128xi32, #tpu.memory_space<hbm>>) target(%arg8 : memref<50x128xi32, #tpu.memory_space<vmem>>) target_semaphore(%run_scoped3A : memref<!tpu.dma_semaphore, #tpu.memory_space<semaphore_mem>>)
      %dma_wait3A_112 = arith.constant 0 : i32
      %dma_wait3A_113 = arith.constant 0 : i32
      %dma_wait3A_114 = tpu.memref_slice %arg3[%add3A, %dma_wait3A_112, %dma_wait3A_113] : memref<32x50x128xi32, #tpu.memory_space<hbm>> -> memref<1x50x128xi32, #tpu.memory_space<hbm>>
      %dma_wait3A_115 = tpu.memref_squeeze %dma_wait3A_114 : memref<1x50x128xi32, #tpu.memory_space<hbm>> -> memref<50x128xi32, #tpu.memory_space<hbm>>
      %dma_wait3A_116 = arith.constant 0 : i32
      %dma_wait3A_117 = arith.constant 0 : i32
      %dma_wait3A_118 = tpu.memref_slice %arg3[%add3A, %dma_wait3A_116, %dma_wait3A_117] : memref<32x50x128xi32, #tpu.memory_space<hbm>> -> memref<1x50x128xi32, #tpu.memory_space<hbm>>
      %dma_wait3A_119 = tpu.memref_squeeze %dma_wait3A_118 : memref<1x50x128xi32, #tpu.memory_space<hbm>> -> memref<50x128xi32, #tpu.memory_space<hbm>>
      tpu.wait_dma2 semaphore(%run_scoped3A : memref<!tpu.dma_semaphore, #tpu.memory_space<semaphore_mem>>) src(%dma_wait3A_119 : memref<50x128xi32, #tpu.memory_space<hbm>>) dst(%arg8 : memref<50x128xi32, #tpu.memory_space<vmem>>)
      tpu.yield
    }) : () -> ()
    %dma_start3A = arith.constant 0 : i32
    %dma_start3A_3 = arith.constant 0 : i32
    %dma_start3A_4 = tpu.memref_slice %arg7[%dma_start3A, %dma_start3A_3] : memref<50x128xi32, #tpu.memory_space<vmem>> -> memref<1x128xi32, #tpu.memory_space<vmem>>
    %dma_start3A_5 = tpu.memref_squeeze %dma_start3A_4 : memref<1x128xi32, #tpu.memory_space<vmem>> -> memref<128xi32, #tpu.memory_space<vmem>>
    %dma_start3A_6 = arith.constant 0 : i32
    %dma_start3A_7 = arith.constant 0 : i32
    %dma_start3A_8 = tpu.memref_slice %arg4[%dma_start3A_6, %dma_start3A_7] : memref<100000x128xf32, #tpu.memory_space<hbm>> -> memref<100000x128xf32, #tpu.memory_space<hbm>>
    tpu.enqueue_indirect_dma source(%dma_start3A_8 : memref<100000x128xf32, #tpu.memory_space<hbm>>) target(%arg9 : memref<128x128xf32, #tpu.memory_space<vmem>>) offsets(%dma_start3A_5 : memref<128xi32, #tpu.memory_space<vmem>>) semaphore(%arg15 : memref<!tpu.dma_semaphore, #tpu.memory_space<semaphore_mem>>)
    %dma_start3A_9 = arith.constant 0 : i32
    %dma_start3A_10 = arith.constant 0 : i32
    %dma_start3A_11 = tpu.memref_slice %arg8[%dma_start3A_9, %dma_start3A_10] : memref<50x128xi32, #tpu.memory_space<vmem>> -> memref<1x128xi32, #tpu.memory_space<vmem>>
    %dma_start3A_12 = tpu.memref_squeeze %dma_start3A_11 : memref<1x128xi32, #tpu.memory_space<vmem>> -> memref<128xi32, #tpu.memory_space<vmem>>
    %dma_start3A_13 = arith.constant 0 : i32
    %dma_start3A_14 = arith.constant 0 : i32
    %dma_start3A_15 = tpu.memref_slice %arg5[%dma_start3A_13, %dma_start3A_14] : memref<600x128xf32, #tpu.memory_space<hbm>> -> memref<600x128xf32, #tpu.memory_space<hbm>>
    tpu.enqueue_indirect_dma source(%dma_start3A_15 : memref<600x128xf32, #tpu.memory_space<hbm>>) target(%arg12 : memref<128x128xf32, #tpu.memory_space<vmem>>) offsets(%dma_start3A_12 : memref<128xi32, #tpu.memory_space<vmem>>) semaphore(%arg15 : memref<!tpu.dma_semaphore, #tpu.memory_space<semaphore_mem>>)
    %dma_start3A_16 = arith.constant 1 : i32
    %dma_start3A_17 = arith.constant 0 : i32
    %dma_start3A_18 = tpu.memref_slice %arg7[%dma_start3A_16, %dma_start3A_17] : memref<50x128xi32, #tpu.memory_space<vmem>> -> memref<1x128xi32, #tpu.memory_space<vmem>>
    %dma_start3A_19 = tpu.memref_squeeze %dma_start3A_18 : memref<1x128xi32, #tpu.memory_space<vmem>> -> memref<128xi32, #tpu.memory_space<vmem>>
    %dma_start3A_20 = arith.constant 0 : i32
    %dma_start3A_21 = arith.constant 0 : i32
    %dma_start3A_22 = tpu.memref_slice %arg4[%dma_start3A_20, %dma_start3A_21] : memref<100000x128xf32, #tpu.memory_space<hbm>> -> memref<100000x128xf32, #tpu.memory_space<hbm>>
    tpu.enqueue_indirect_dma source(%dma_start3A_22 : memref<100000x128xf32, #tpu.memory_space<hbm>>) target(%arg10 : memref<128x128xf32, #tpu.memory_space<vmem>>) offsets(%dma_start3A_19 : memref<128xi32, #tpu.memory_space<vmem>>) semaphore(%arg16 : memref<!tpu.dma_semaphore, #tpu.memory_space<semaphore_mem>>)
    %dma_start3A_23 = arith.constant 1 : i32
    %dma_start3A_24 = arith.constant 0 : i32
    %dma_start3A_25 = tpu.memref_slice %arg8[%dma_start3A_23, %dma_start3A_24] : memref<50x128xi32, #tpu.memory_space<vmem>> -> memref<1x128xi32, #tpu.memory_space<vmem>>
    %dma_start3A_26 = tpu.memref_squeeze %dma_start3A_25 : memref<1x128xi32, #tpu.memory_space<vmem>> -> memref<128xi32, #tpu.memory_space<vmem>>
    %dma_start3A_27 = arith.constant 0 : i32
    %dma_start3A_28 = arith.constant 0 : i32
    %dma_start3A_29 = tpu.memref_slice %arg5[%dma_start3A_27, %dma_start3A_28] : memref<600x128xf32, #tpu.memory_space<hbm>> -> memref<600x128xf32, #tpu.memory_space<hbm>>
    tpu.enqueue_indirect_dma source(%dma_start3A_29 : memref<600x128xf32, #tpu.memory_space<hbm>>) target(%arg13 : memref<128x128xf32, #tpu.memory_space<vmem>>) offsets(%dma_start3A_26 : memref<128xi32, #tpu.memory_space<vmem>>) semaphore(%arg16 : memref<!tpu.dma_semaphore, #tpu.memory_space<semaphore_mem>>)
    %scan3A = arith.constant 0 : i32
    %scan3A_30 = arith.constant 0 : i32
    %scan3A_31 = arith.constant 16 : i32
    %scan3A_32 = arith.addi %scan3A_30, %scan3A_31 : i32
    %scan3A_33 = arith.constant 1 : i32
    scf.for %scan3A_104 = %scan3A_30 to %scan3A_32 step %scan3A_33  : i32 {
      %mul3A_105 = arith.constant 3 : i32
      %mul3A_106 = arith.muli %mul3A_105, %scan3A_104 : i32
      %add3A_107 = arith.constant 0 : i32
      %add3A_108 = arith.addi %mul3A_106, %add3A_107 : i32
      %dma_wait3A_109 = arith.constant 0 : i32
      %dma_wait3A_110 = arith.constant 0 : i32
      %dma_wait3A_111 = tpu.memref_slice %arg7[%dma_wait3A_109, %dma_wait3A_110] : memref<50x128xi32, #tpu.memory_space<vmem>> -> memref<1x128xi32, #tpu.memory_space<vmem>>
      %dma_wait3A_112 = tpu.memref_squeeze %dma_wait3A_111 : memref<1x128xi32, #tpu.memory_space<vmem>> -> memref<128xi32, #tpu.memory_space<vmem>>
      %dma_wait3A_113 = arith.constant 0 : i32
      %dma_wait3A_114 = arith.constant 0 : i32
      %dma_wait3A_115 = tpu.memref_slice %arg4[%dma_wait3A_113, %dma_wait3A_114] : memref<100000x128xf32, #tpu.memory_space<hbm>> -> memref<100000x128xf32, #tpu.memory_space<hbm>>
      tpu.wait_indirect_dma semaphore(%arg15 : memref<!tpu.dma_semaphore, #tpu.memory_space<semaphore_mem>>) src(%dma_wait3A_115 : memref<100000x128xf32, #tpu.memory_space<hbm>>) dst(%arg9 : memref<128x128xf32, #tpu.memory_space<vmem>>)
      %dma_wait3A_116 = arith.constant 0 : i32
      %dma_wait3A_117 = arith.constant 0 : i32
      %dma_wait3A_118 = tpu.memref_slice %arg8[%dma_wait3A_116, %dma_wait3A_117] : memref<50x128xi32, #tpu.memory_space<vmem>> -> memref<1x128xi32, #tpu.memory_space<vmem>>
      %dma_wait3A_119 = tpu.memref_squeeze %dma_wait3A_118 : memref<1x128xi32, #tpu.memory_space<vmem>> -> memref<128xi32, #tpu.memory_space<vmem>>
      %dma_wait3A_120 = arith.constant 0 : i32
      %dma_wait3A_121 = arith.constant 0 : i32
      %dma_wait3A_122 = tpu.memref_slice %arg5[%dma_wait3A_120, %dma_wait3A_121] : memref<600x128xf32, #tpu.memory_space<hbm>> -> memref<600x128xf32, #tpu.memory_space<hbm>>
      tpu.wait_indirect_dma semaphore(%arg15 : memref<!tpu.dma_semaphore, #tpu.memory_space<semaphore_mem>>) src(%dma_wait3A_122 : memref<600x128xf32, #tpu.memory_space<hbm>>) dst(%arg12 : memref<128x128xf32, #tpu.memory_space<vmem>>)
      %scan3A_123 = arith.constant 0 : i32
      %scan3A_124 = arith.constant 0 : i32
      %scan3A_125 = arith.constant 64 : i32
      %scan3A_126 = arith.addi %scan3A_124, %scan3A_125 : i32
      %scan3A_127 = arith.constant 1 : i32
      scf.for %scan3A_244 = %scan3A_124 to %scan3A_126 step %scan3A_127  : i32 {
        %mul3A_245 = arith.constant 2 : i32
        %mul3A_246 = arith.muli %mul3A_245, %scan3A_244 : i32
        %add3A_247 = arith.constant 0 : i32
        %add3A_248 = arith.addi %mul3A_246, %add3A_247 : i32
        %get3A = arith.index_cast %add3A_248 : i32 to index
        %get3A_249 = arith.constant 0 : index
        %get3A_250 = tpu.vector_load %arg12[%get3A, %get3A_249] {strides = array<i32>} : memref<128x128xf32, #tpu.memory_space<vmem>>, vector<1x16xf32>,
        %get3A_251 = vector.shape_cast %get3A_250 : vector<1x16xf32> to vector<16xf32>
        %swap3A = arith.index_cast %add3A_248 : i32 to index
        %swap3A_252 = arith.constant 0 : index
        %swap3A_253 = tpu.vector_load %arg9[%swap3A, %swap3A_252] {strides = array<i32>} : memref<128x128xf32, #tpu.memory_space<vmem>>, vector<1x16xf32>,
        %swap3A_254 = vector.shape_cast %swap3A_253 : vector<1x16xf32> to vector<16xf32>
        %swap3A_255 = vector.shape_cast %get3A_251 : vector<16xf32> to vector<1x16xf32>
        tpu.vector_store %arg9[%swap3A, %swap3A_252], %swap3A_255 {add = true, strides = array<i32>} : memref<128x128xf32, #tpu.memory_space<vmem>>, vector<1x16xf32>,
        %get3A_256 = arith.index_cast %add3A_248 : i32 to index
        %get3A_257 = arith.constant 16 : index
        %get3A_258 = tpu.vector_load %arg12[%get3A_256, %get3A_257] {strides = array<i32>} : memref<128x128xf32, #tpu.memory_space<vmem>>, vector<1x16xf32>,
        %get3A_259 = vector.shape_cast %get3A_258 : vector<1x16xf32> to vector<16xf32>
        %swap3A_260 = arith.index_cast %add3A_248 : i32 to index
        %swap3A_261 = arith.constant 16 : index
        %swap3A_262 = tpu.vector_load %arg9[%swap3A_260, %swap3A_261] {strides = array<i32>} : memref<128x128xf32, #tpu.memory_space<vmem>>, vector<1x16xf32>,
        %swap3A_263 = vector.shape_cast %swap3A_262 : vector<1x16xf32> to vector<16xf32>
        %swap3A_264 = vector.shape_cast %get3A_259 : vector<16xf32> to vector<1x16xf32>
        tpu.vector_store %arg9[%swap3A_260, %swap3A_261], %swap3A_264 {add = true, strides = array<i32>} : memref<128x128xf32, #tpu.memory_space<vmem>>, vector<1x16xf32>,
        %get3A_265 = arith.index_cast %add3A_248 : i32 to index
        %get3A_266 = arith.constant 32 : index
        %get3A_267 = tpu.vector_load %arg12[%get3A_265, %get3A_266] {strides = array<i32>} : memref<128x128xf32, #tpu.memory_space<vmem>>, vector<1x16xf32>,
        %get3A_268 = vector.shape_cast %get3A_267 : vector<1x16xf32> to vector<16xf32>
        %swap3A_269 = arith.index_cast %add3A_248 : i32 to index
        %swap3A_270 = arith.constant 32 : index
        %swap3A_271 = tpu.vector_load %arg9[%swap3A_269, %swap3A_270] {strides = array<i32>} : memref<128x128xf32, #tpu.memory_space<vmem>>, vector<1x16xf32>,
        %swap3A_272 = vector.shape_cast %swap3A_271 : vector<1x16xf32> to vector<16xf32>
        %swap3A_273 = vector.shape_cast %get3A_268 : vector<16xf32> to vector<1x16xf32>
        tpu.vector_store %arg9[%swap3A_269, %swap3A_270], %swap3A_273 {add = true, strides = array<i32>} : memref<128x128xf32, #tpu.memory_space<vmem>>, vector<1x16xf32>,
        %get3A_274 = arith.index_cast %add3A_248 : i32 to index
        %get3A_275 = arith.constant 48 : index
        %get3A_276 = tpu.vector_load %arg12[%get3A_274, %get3A_275] {strides = array<i32>} : memref<128x128xf32, #tpu.memory_space<vmem>>, vector<1x16xf32>,
        %get3A_277 = vector.shape_cast %get3A_276 : vector<1x16xf32> to vector<16xf32>
        %swap3A_278 = arith.index_cast %add3A_248 : i32 to index
        %swap3A_279 = arith.constant 48 : index
        %swap3A_280 = tpu.vector_load %arg9[%swap3A_278, %swap3A_279] {strides = array<i32>} : memref<128x128xf32, #tpu.memory_space<vmem>>, vector<1x16xf32>,
        %swap3A_281 = vector.shape_cast %swap3A_280 : vector<1x16xf32> to vector<16xf32>
        %swap3A_282 = vector.shape_cast %get3A_277 : vector<16xf32> to vector<1x16xf32>
        tpu.vector_store %arg9[%swap3A_278, %swap3A_279], %swap3A_282 {add = true, strides = array<i32>} : memref<128x128xf32, #tpu.memory_space<vmem>>, vector<1x16xf32>,
        %get3A_283 = arith.index_cast %add3A_248 : i32 to index
        %get3A_284 = arith.constant 64 : index
        %get3A_285 = tpu.vector_load %arg12[%get3A_283, %get3A_284] {strides = array<i32>} : memref<128x128xf32, #tpu.memory_space<vmem>>, vector<1x16xf32>,
        %get3A_286 = vector.shape_cast %get3A_285 : vector<1x16xf32> to vector<16xf32>
        %swap3A_287 = arith.index_cast %add3A_248 : i32 to index
        %swap3A_288 = arith.constant 64 : index
        %swap3A_289 = tpu.vector_load %arg9[%swap3A_287, %swap3A_288] {strides = array<i32>} : memref<128x128xf32, #tpu.memory_space<vmem>>, vector<1x16xf32>,
        %swap3A_290 = vector.shape_cast %swap3A_289 : vector<1x16xf32> to vector<16xf32>
        %swap3A_291 = vector.shape_cast %get3A_286 : vector<16xf32> to vector<1x16xf32>
        tpu.vector_store %arg9[%swap3A_287, %swap3A_288], %swap3A_291 {add = true, strides = array<i32>} : memref<128x128xf32, #tpu.memory_space<vmem>>, vector<1x16xf32>,
        %get3A_292 = arith.index_cast %add3A_248 : i32 to index
        %get3A_293 = arith.constant 80 : index
        %get3A_294 = tpu.vector_load %arg12[%get3A_292, %get3A_293] {strides = array<i32>} : memref<128x128xf32, #tpu.memory_space<vmem>>, vector<1x16xf32>,
        %get3A_295 = vector.shape_cast %get3A_294 : vector<1x16xf32> to vector<16xf32>
        %swap3A_296 = arith.index_cast %add3A_248 : i32 to index
        %swap3A_297 = arith.constant 80 : index
        %swap3A_298 = tpu.vector_load %arg9[%swap3A_296, %swap3A_297] {strides = array<i32>} : memref<128x128xf32, #tpu.memory_space<vmem>>, vector<1x16xf32>,
        %swap3A_299 = vector.shape_cast %swap3A_298 : vector<1x16xf32> to vector<16xf32>
        %swap3A_300 = vector.shape_cast %get3A_295 : vector<16xf32> to vector<1x16xf32>
        tpu.vector_store %arg9[%swap3A_296, %swap3A_297], %swap3A_300 {add = true, strides = array<i32>} : memref<128x128xf32, #tpu.memory_space<vmem>>, vector<1x16xf32>,
        %get3A_301 = arith.index_cast %add3A_248 : i32 to index
        %get3A_302 = arith.constant 96 : index
        %get3A_303 = tpu.vector_load %arg12[%get3A_301, %get3A_302] {strides = array<i32>} : memref<128x128xf32, #tpu.memory_space<vmem>>, vector<1x16xf32>,
        %get3A_304 = vector.shape_cast %get3A_303 : vector<1x16xf32> to vector<16xf32>
        %swap3A_305 = arith.index_cast %add3A_248 : i32 to index
        %swap3A_306 = arith.constant 96 : index
        %swap3A_307 = tpu.vector_load %arg9[%swap3A_305, %swap3A_306] {strides = array<i32>} : memref<128x128xf32, #tpu.memory_space<vmem>>, vector<1x16xf32>,
        %swap3A_308 = vector.shape_cast %swap3A_307 : vector<1x16xf32> to vector<16xf32>
        %swap3A_309 = vector.shape_cast %get3A_304 : vector<16xf32> to vector<1x16xf32>
        tpu.vector_store %arg9[%swap3A_305, %swap3A_306], %swap3A_309 {add = true, strides = array<i32>} : memref<128x128xf32, #tpu.memory_space<vmem>>, vector<1x16xf32>,
        %get3A_310 = arith.index_cast %add3A_248 : i32 to index
        %get3A_311 = arith.constant 112 : index
        %get3A_312 = tpu.vector_load %arg12[%get3A_310, %get3A_311] {strides = array<i32>} : memref<128x128xf32, #tpu.memory_space<vmem>>, vector<1x16xf32>,
        %get3A_313 = vector.shape_cast %get3A_312 : vector<1x16xf32> to vector<16xf32>
        %swap3A_314 = arith.index_cast %add3A_248 : i32 to index
        %swap3A_315 = arith.constant 112 : index
        %swap3A_316 = tpu.vector_load %arg9[%swap3A_314, %swap3A_315] {strides = array<i32>} : memref<128x128xf32, #tpu.memory_space<vmem>>, vector<1x16xf32>,
        %swap3A_317 = vector.shape_cast %swap3A_316 : vector<1x16xf32> to vector<16xf32>
        %swap3A_318 = vector.shape_cast %get3A_313 : vector<16xf32> to vector<1x16xf32>
        tpu.vector_store %arg9[%swap3A_314, %swap3A_315], %swap3A_318 {add = true, strides = array<i32>} : memref<128x128xf32, #tpu.memory_space<vmem>>, vector<1x16xf32>,
        %mul3A_319 = arith.constant 2 : i32
        %mul3A_320 = arith.muli %mul3A_319, %scan3A_244 : i32
        %add3A_321 = arith.constant 1 : i32
        %add3A_322 = arith.addi %mul3A_320, %add3A_321 : i32
        %get3A_323 = arith.index_cast %add3A_322 : i32 to index
        %get3A_324 = arith.constant 0 : index
        %get3A_325 = tpu.vector_load %arg12[%get3A_323, %get3A_324] {strides = array<i32>} : memref<128x128xf32, #tpu.memory_space<vmem>>, vector<1x16xf32>,
        %get3A_326 = vector.shape_cast %get3A_325 : vector<1x16xf32> to vector<16xf32>
        %swap3A_327 = arith.index_cast %add3A_322 : i32 to index
        %swap3A_328 = arith.constant 0 : index
        %swap3A_329 = tpu.vector_load %arg9[%swap3A_327, %swap3A_328] {strides = array<i32>} : memref<128x128xf32, #tpu.memory_space<vmem>>, vector<1x16xf32>,
        %swap3A_330 = vector.shape_cast %swap3A_329 : vector<1x16xf32> to vector<16xf32>
        %swap3A_331 = vector.shape_cast %get3A_326 : vector<16xf32> to vector<1x16xf32>
        tpu.vector_store %arg9[%swap3A_327, %swap3A_328], %swap3A_331 {add = true, strides = array<i32>} : memref<128x128xf32, #tpu.memory_space<vmem>>, vector<1x16xf32>,
        %get3A_332 = arith.index_cast %add3A_322 : i32 to index
        %get3A_333 = arith.constant 16 : index
        %get3A_334 = tpu.vector_load %arg12[%get3A_332, %get3A_333] {strides = array<i32>} : memref<128x128xf32, #tpu.memory_space<vmem>>, vector<1x16xf32>,
        %get3A_335 = vector.shape_cast %get3A_334 : vector<1x16xf32> to vector<16xf32>
        %swap3A_336 = arith.index_cast %add3A_322 : i32 to index
        %swap3A_337 = arith.constant 16 : index
        %swap3A_338 = tpu.vector_load %arg9[%swap3A_336, %swap3A_337] {strides = array<i32>} : memref<128x128xf32, #tpu.memory_space<vmem>>, vector<1x16xf32>,
        %swap3A_339 = vector.shape_cast %swap3A_338 : vector<1x16xf32> to vector<16xf32>
        %swap3A_340 = vector.shape_cast %get3A_335 : vector<16xf32> to vector<1x16xf32>
        tpu.vector_store %arg9[%swap3A_336, %swap3A_337], %swap3A_340 {add = true, strides = array<i32>} : memref<128x128xf32, #tpu.memory_space<vmem>>, vector<1x16xf32>,
        %get3A_341 = arith.index_cast %add3A_322 : i32 to index
        %get3A_342 = arith.constant 32 : index
        %get3A_343 = tpu.vector_load %arg12[%get3A_341, %get3A_342] {strides = array<i32>} : memref<128x128xf32, #tpu.memory_space<vmem>>, vector<1x16xf32>,
        %get3A_344 = vector.shape_cast %get3A_343 : vector<1x16xf32> to vector<16xf32>
        %swap3A_345 = arith.index_cast %add3A_322 : i32 to index
        %swap3A_346 = arith.constant 32 : index
        %swap3A_347 = tpu.vector_load %arg9[%swap3A_345, %swap3A_346] {strides = array<i32>} : memref<128x128xf32, #tpu.memory_space<vmem>>, vector<1x16xf32>,
        %swap3A_348 = vector.shape_cast %swap3A_347 : vector<1x16xf32> to vector<16xf32>
        %swap3A_349 = vector.shape_cast %get3A_344 : vector<16xf32> to vector<1x16xf32>
        tpu.vector_store %arg9[%swap3A_345, %swap3A_346], %swap3A_349 {add = true, strides = array<i32>} : memref<128x128xf32, #tpu.memory_space<vmem>>, vector<1x16xf32>,
        %get3A_350 = arith.index_cast %add3A_322 : i32 to index
        %get3A_351 = arith.constant 48 : index
        %get3A_352 = tpu.vector_load %arg12[%get3A_350, %get3A_351] {strides = array<i32>} : memref<128x128xf32, #tpu.memory_space<vmem>>, vector<1x16xf32>,
        %get3A_353 = vector.shape_cast %get3A_352 : vector<1x16xf32> to vector<16xf32>
        %swap3A_354 = arith.index_cast %add3A_322 : i32 to index
        %swap3A_355 = arith.constant 48 : index
        %swap3A_356 = tpu.vector_load %arg9[%swap3A_354, %swap3A_355] {strides = array<i32>} : memref<128x128xf32, #tpu.memory_space<vmem>>, vector<1x16xf32>,
        %swap3A_357 = vector.shape_cast %swap3A_356 : vector<1x16xf32> to vector<16xf32>
        %swap3A_358 = vector.shape_cast %get3A_353 : vector<16xf32> to vector<1x16xf32>
        tpu.vector_store %arg9[%swap3A_354, %swap3A_355], %swap3A_358 {add = true, strides = array<i32>} : memref<128x128xf32, #tpu.memory_space<vmem>>, vector<1x16xf32>,
        %get3A_359 = arith.index_cast %add3A_322 : i32 to index
        %get3A_360 = arith.constant 64 : index
        %get3A_361 = tpu.vector_load %arg12[%get3A_359, %get3A_360] {strides = array<i32>} : memref<128x128xf32, #tpu.memory_space<vmem>>, vector<1x16xf32>,
        %get3A_362 = vector.shape_cast %get3A_361 : vector<1x16xf32> to vector<16xf32>
        %swap3A_363 = arith.index_cast %add3A_322 : i32 to index
        %swap3A_364 = arith.constant 64 : index
        %swap3A_365 = tpu.vector_load %arg9[%swap3A_363, %swap3A_364] {strides = array<i32>} : memref<128x128xf32, #tpu.memory_space<vmem>>, vector<1x16xf32>,
        %swap3A_366 = vector.shape_cast %swap3A_365 : vector<1x16xf32> to vector<16xf32>
        %swap3A_367 = vector.shape_cast %get3A_362 : vector<16xf32> to vector<1x16xf32>
        tpu.vector_store %arg9[%swap3A_363, %swap3A_364], %swap3A_367 {add = true, strides = array<i32>} : memref<128x128xf32, #tpu.memory_space<vmem>>, vector<1x16xf32>,
        %get3A_368 = arith.index_cast %add3A_322 : i32 to index
        %get3A_369 = arith.constant 80 : index
        %get3A_370 = tpu.vector_load %arg12[%get3A_368, %get3A_369] {strides = array<i32>} : memref<128x128xf32, #tpu.memory_space<vmem>>, vector<1x16xf32>,
        %get3A_371 = vector.shape_cast %get3A_370 : vector<1x16xf32> to vector<16xf32>
        %swap3A_372 = arith.index_cast %add3A_322 : i32 to index
        %swap3A_373 = arith.constant 80 : index
        %swap3A_374 = tpu.vector_load %arg9[%swap3A_372, %swap3A_373] {strides = array<i32>} : memref<128x128xf32, #tpu.memory_space<vmem>>, vector<1x16xf32>,
        %swap3A_375 = vector.shape_cast %swap3A_374 : vector<1x16xf32> to vector<16xf32>
        %swap3A_376 = vector.shape_cast %get3A_371 : vector<16xf32> to vector<1x16xf32>
        tpu.vector_store %arg9[%swap3A_372, %swap3A_373], %swap3A_376 {add = true, strides = array<i32>} : memref<128x128xf32, #tpu.memory_space<vmem>>, vector<1x16xf32>,
        %get3A_377 = arith.index_cast %add3A_322 : i32 to index
        %get3A_378 = arith.constant 96 : index
        %get3A_379 = tpu.vector_load %arg12[%get3A_377, %get3A_378] {strides = array<i32>} : memref<128x128xf32, #tpu.memory_space<vmem>>, vector<1x16xf32>,
        %get3A_380 = vector.shape_cast %get3A_379 : vector<1x16xf32> to vector<16xf32>
        %swap3A_381 = arith.index_cast %add3A_322 : i32 to index
        %swap3A_382 = arith.constant 96 : index
        %swap3A_383 = tpu.vector_load %arg9[%swap3A_381, %swap3A_382] {strides = array<i32>} : memref<128x128xf32, #tpu.memory_space<vmem>>, vector<1x16xf32>,
        %swap3A_384 = vector.shape_cast %swap3A_383 : vector<1x16xf32> to vector<16xf32>
        %swap3A_385 = vector.shape_cast %get3A_380 : vector<16xf32> to vector<1x16xf32>
        tpu.vector_store %arg9[%swap3A_381, %swap3A_382], %swap3A_385 {add = true, strides = array<i32>} : memref<128x128xf32, #tpu.memory_space<vmem>>, vector<1x16xf32>,
        %get3A_386 = arith.index_cast %add3A_322 : i32 to index
        %get3A_387 = arith.constant 112 : index
        %get3A_388 = tpu.vector_load %arg12[%get3A_386, %get3A_387] {strides = array<i32>} : memref<128x128xf32, #tpu.memory_space<vmem>>, vector<1x16xf32>,
        %get3A_389 = vector.shape_cast %get3A_388 : vector<1x16xf32> to vector<16xf32>
        %swap3A_390 = arith.index_cast %add3A_322 : i32 to index
        %swap3A_391 = arith.constant 112 : index
        %swap3A_392 = tpu.vector_load %arg9[%swap3A_390, %swap3A_391] {strides = array<i32>} : memref<128x128xf32, #tpu.memory_space<vmem>>, vector<1x16xf32>,
        %swap3A_393 = vector.shape_cast %swap3A_392 : vector<1x16xf32> to vector<16xf32>
        %swap3A_394 = vector.shape_cast %get3A_389 : vector<16xf32> to vector<1x16xf32>
        tpu.vector_store %arg9[%swap3A_390, %swap3A_391], %swap3A_394 {add = true, strides = array<i32>} : memref<128x128xf32, #tpu.memory_space<vmem>>, vector<1x16xf32>,
      }
      %scan3A_128 = arith.constant 64 : i32
      %mul3A_129 = arith.constant 128 : i32
      %mul3A_130 = arith.muli %add3A_108, %mul3A_129 : i32
      %add3A_131 = arith.addi %mul3A_2, %mul3A_130 : i32
      %dma_start3A_132 = arith.constant 0 : i32
      %dma_start3A_133 = tpu.memref_slice %arg6[%add3A_131, %dma_start3A_132] : memref<204800x128xf32, #tpu.memory_space<hbm>> -> memref<128x128xf32, #tpu.memory_space<hbm>>
      %dma_start3A_134 = arith.constant 0 : i32
      %dma_start3A_135 = tpu.memref_slice %arg6[%add3A_131, %dma_start3A_134] : memref<204800x128xf32, #tpu.memory_space<hbm>> -> memref<128x128xf32, #tpu.memory_space<hbm>>
      tpu.enqueue_dma source(%arg9 : memref<128x128xf32, #tpu.memory_space<vmem>>) target(%dma_start3A_135 : memref<128x128xf32, #tpu.memory_space<hbm>>) target_semaphore(%arg18 : memref<!tpu.dma_semaphore, #tpu.memory_space<semaphore_mem>>)
      %ge3A = arith.constant 1 : i32
      %ge3A_136 = arith.cmpi sge, %add3A_108, %ge3A : i32
      %add3A_137 = arith.constant 2 : i32
      %add3A_138 = arith.addi %add3A_108, %add3A_137 : i32
      %lt3A = arith.constant 50 : i32
      %lt3A_139 = arith.cmpi slt, %add3A_138, %lt3A : i32
      %and3A = arith.andi %ge3A_136, %lt3A_139 : i1
      %convert_element_type3A = arith.extui %and3A : i1 to i32
      %cond3A = arith.constant 0 : i32
      %cond3A_140 = arith.cmpi ne, %convert_element_type3A, %cond3A : i32
      scf.if %cond3A_140 {
        %dma_wait3A_244 = arith.constant 0 : i32
        %dma_wait3A_245 = arith.constant 0 : i32
        %dma_wait3A_246 = tpu.memref_slice %arg6[%dma_wait3A_244, %dma_wait3A_245] : memref<204800x128xf32, #tpu.memory_space<hbm>> -> memref<128x128xf32, #tpu.memory_space<hbm>>
        %dma_wait3A_247 = arith.constant 0 : i32
        %dma_wait3A_248 = arith.constant 0 : i32
        %dma_wait3A_249 = tpu.memref_slice %arg6[%dma_wait3A_247, %dma_wait3A_248] : memref<204800x128xf32, #tpu.memory_space<hbm>> -> memref<128x128xf32, #tpu.memory_space<hbm>>
        tpu.wait_dma2 semaphore(%arg20 : memref<!tpu.dma_semaphore, #tpu.memory_space<semaphore_mem>>) src(%arg11 : memref<128x128xf32, #tpu.memory_space<vmem>>) dst(%dma_wait3A_249 : memref<128x128xf32, #tpu.memory_space<hbm>>)
      } else {
      }
      %add3A_141 = arith.constant 2 : i32
      %add3A_142 = arith.addi %add3A_108, %add3A_141 : i32
      %lt3A_143 = arith.constant 50 : i32
      %lt3A_144 = arith.cmpi slt, %add3A_142, %lt3A_143 : i32
      %convert_element_type3A_145 = arith.extui %lt3A_144 : i1 to i32
      %cond3A_146 = arith.constant 0 : i32
      %cond3A_147 = arith.cmpi ne, %convert_element_type3A_145, %cond3A_146 : i32
      scf.if %cond3A_147 {
        %add3A_244 = arith.constant 2 : i32
        %add3A_245 = arith.addi %add3A_108, %add3A_244 : i32
        %dma_start3A_246 = arith.constant 0 : i32
        %dma_start3A_247 = tpu.memref_slice %arg7[%add3A_245, %dma_start3A_246] : memref<50x128xi32, #tpu.memory_space<vmem>> -> memref<1x128xi32, #tpu.memory_space<vmem>>
        %dma_start3A_248 = tpu.memref_squeeze %dma_start3A_247 : memref<1x128xi32, #tpu.memory_space<vmem>> -> memref<128xi32, #tpu.memory_space<vmem>>
        %dma_start3A_249 = arith.constant 0 : i32
        %dma_start3A_250 = arith.constant 0 : i32
        %dma_start3A_251 = tpu.memref_slice %arg4[%dma_start3A_249, %dma_start3A_250] : memref<100000x128xf32, #tpu.memory_space<hbm>> -> memref<100000x128xf32, #tpu.memory_space<hbm>>
        tpu.enqueue_indirect_dma source(%dma_start3A_251 : memref<100000x128xf32, #tpu.memory_space<hbm>>) target(%arg11 : memref<128x128xf32, #tpu.memory_space<vmem>>) offsets(%dma_start3A_248 : memref<128xi32, #tpu.memory_space<vmem>>) semaphore(%arg17 : memref<!tpu.dma_semaphore, #tpu.memory_space<semaphore_mem>>)
        %dma_start3A_252 = arith.constant 0 : i32
        %dma_start3A_253 = tpu.memref_slice %arg8[%add3A_245, %dma_start3A_252] : memref<50x128xi32, #tpu.memory_space<vmem>> -> memref<1x128xi32, #tpu.memory_space<vmem>>
        %dma_start3A_254 = tpu.memref_squeeze %dma_start3A_253 : memref<1x128xi32, #tpu.memory_space<vmem>> -> memref<128xi32, #tpu.memory_space<vmem>>
        %dma_start3A_255 = arith.constant 0 : i32
        %dma_start3A_256 = arith.constant 0 : i32
        %dma_start3A_257 = tpu.memref_slice %arg5[%dma_start3A_255, %dma_start3A_256] : memref<600x128xf32, #tpu.memory_space<hbm>> -> memref<600x128xf32, #tpu.memory_space<hbm>>
        tpu.enqueue_indirect_dma source(%dma_start3A_257 : memref<600x128xf32, #tpu.memory_space<hbm>>) target(%arg14 : memref<128x128xf32, #tpu.memory_space<vmem>>) offsets(%dma_start3A_254 : memref<128xi32, #tpu.memory_space<vmem>>) semaphore(%arg17 : memref<!tpu.dma_semaphore, #tpu.memory_space<semaphore_mem>>)
      } else {
      }
      %mul3A_148 = arith.constant 3 : i32
      %mul3A_149 = arith.muli %mul3A_148, %scan3A_104 : i32
      %add3A_150 = arith.constant 1 : i32
      %add3A_151 = arith.addi %mul3A_149, %add3A_150 : i32
      %dma_wait3A_152 = arith.constant 0 : i32
      %dma_wait3A_153 = arith.constant 0 : i32
      %dma_wait3A_154 = tpu.memref_slice %arg7[%dma_wait3A_152, %dma_wait3A_153] : memref<50x128xi32, #tpu.memory_space<vmem>> -> memref<1x128xi32, #tpu.memory_space<vmem>>
      %dma_wait3A_155 = tpu.memref_squeeze %dma_wait3A_154 : memref<1x128xi32, #tpu.memory_space<vmem>> -> memref<128xi32, #tpu.memory_space<vmem>>
      %dma_wait3A_156 = arith.constant 0 : i32
      %dma_wait3A_157 = arith.constant 0 : i32
      %dma_wait3A_158 = tpu.memref_slice %arg4[%dma_wait3A_156, %dma_wait3A_157] : memref<100000x128xf32, #tpu.memory_space<hbm>> -> memref<100000x128xf32, #tpu.memory_space<hbm>>
      tpu.wait_indirect_dma semaphore(%arg16 : memref<!tpu.dma_semaphore, #tpu.memory_space<semaphore_mem>>) src(%dma_wait3A_158 : memref<100000x128xf32, #tpu.memory_space<hbm>>) dst(%arg10 : memref<128x128xf32, #tpu.memory_space<vmem>>)
      %dma_wait3A_159 = arith.constant 0 : i32
      %dma_wait3A_160 = arith.constant 0 : i32
      %dma_wait3A_161 = tpu.memref_slice %arg8[%dma_wait3A_159, %dma_wait3A_160] : memref<50x128xi32, #tpu.memory_space<vmem>> -> memref<1x128xi32, #tpu.memory_space<vmem>>
      %dma_wait3A_162 = tpu.memref_squeeze %dma_wait3A_161 : memref<1x128xi32, #tpu.memory_space<vmem>> -> memref<128xi32, #tpu.memory_space<vmem>>
      %dma_wait3A_163 = arith.constant 0 : i32
      %dma_wait3A_164 = arith.constant 0 : i32
      %dma_wait3A_165 = tpu.memref_slice %arg5[%dma_wait3A_163, %dma_wait3A_164] : memref<600x128xf32, #tpu.memory_space<hbm>> -> memref<600x128xf32, #tpu.memory_space<hbm>>
      tpu.wait_indirect_dma semaphore(%arg16 : memref<!tpu.dma_semaphore, #tpu.memory_space<semaphore_mem>>) src(%dma_wait3A_165 : memref<600x128xf32, #tpu.memory_space<hbm>>) dst(%arg13 : memref<128x128xf32, #tpu.memory_space<vmem>>)
      %scan3A_166 = arith.constant 0 : i32
      %scan3A_167 = arith.constant 0 : i32
      %scan3A_168 = arith.constant 64 : i32
      %scan3A_169 = arith.addi %scan3A_167, %scan3A_168 : i32
      %scan3A_170 = arith.constant 1 : i32
      scf.for %scan3A_244 = %scan3A_167 to %scan3A_169 step %scan3A_170  : i32 {
        %mul3A_245 = arith.constant 2 : i32
        %mul3A_246 = arith.muli %mul3A_245, %scan3A_244 : i32
        %add3A_247 = arith.constant 0 : i32
        %add3A_248 = arith.addi %mul3A_246, %add3A_247 : i32
        %get3A = arith.index_cast %add3A_248 : i32 to index
        %get3A_249 = arith.constant 0 : index
        %get3A_250 = tpu.vector_load %arg13[%get3A, %get3A_249] {strides = array<i32>} : memref<128x128xf32, #tpu.memory_space<vmem>>, vector<1x16xf32>,
        %get3A_251 = vector.shape_cast %get3A_250 : vector<1x16xf32> to vector<16xf32>
        %swap3A = arith.index_cast %add3A_248 : i32 to index
        %swap3A_252 = arith.constant 0 : index
        %swap3A_253 = tpu.vector_load %arg10[%swap3A, %swap3A_252] {strides = array<i32>} : memref<128x128xf32, #tpu.memory_space<vmem>>, vector<1x16xf32>,
        %swap3A_254 = vector.shape_cast %swap3A_253 : vector<1x16xf32> to vector<16xf32>
        %swap3A_255 = vector.shape_cast %get3A_251 : vector<16xf32> to vector<1x16xf32>
        tpu.vector_store %arg10[%swap3A, %swap3A_252], %swap3A_255 {add = true, strides = array<i32>} : memref<128x128xf32, #tpu.memory_space<vmem>>, vector<1x16xf32>,
        %get3A_256 = arith.index_cast %add3A_248 : i32 to index
        %get3A_257 = arith.constant 16 : index
        %get3A_258 = tpu.vector_load %arg13[%get3A_256, %get3A_257] {strides = array<i32>} : memref<128x128xf32, #tpu.memory_space<vmem>>, vector<1x16xf32>,
        %get3A_259 = vector.shape_cast %get3A_258 : vector<1x16xf32> to vector<16xf32>
        %swap3A_260 = arith.index_cast %add3A_248 : i32 to index
        %swap3A_261 = arith.constant 16 : index
        %swap3A_262 = tpu.vector_load %arg10[%swap3A_260, %swap3A_261] {strides = array<i32>} : memref<128x128xf32, #tpu.memory_space<vmem>>, vector<1x16xf32>,
        %swap3A_263 = vector.shape_cast %swap3A_262 : vector<1x16xf32> to vector<16xf32>
        %swap3A_264 = vector.shape_cast %get3A_259 : vector<16xf32> to vector<1x16xf32>
        tpu.vector_store %arg10[%swap3A_260, %swap3A_261], %swap3A_264 {add = true, strides = array<i32>} : memref<128x128xf32, #tpu.memory_space<vmem>>, vector<1x16xf32>,
        %get3A_265 = arith.index_cast %add3A_248 : i32 to index
        %get3A_266 = arith.constant 32 : index
        %get3A_267 = tpu.vector_load %arg13[%get3A_265, %get3A_266] {strides = array<i32>} : memref<128x128xf32, #tpu.memory_space<vmem>>, vector<1x16xf32>,
        %get3A_268 = vector.shape_cast %get3A_267 : vector<1x16xf32> to vector<16xf32>
        %swap3A_269 = arith.index_cast %add3A_248 : i32 to index
        %swap3A_270 = arith.constant 32 : index
        %swap3A_271 = tpu.vector_load %arg10[%swap3A_269, %swap3A_270] {strides = array<i32>} : memref<128x128xf32, #tpu.memory_space<vmem>>, vector<1x16xf32>,
        %swap3A_272 = vector.shape_cast %swap3A_271 : vector<1x16xf32> to vector<16xf32>
        %swap3A_273 = vector.shape_cast %get3A_268 : vector<16xf32> to vector<1x16xf32>
        tpu.vector_store %arg10[%swap3A_269, %swap3A_270], %swap3A_273 {add = true, strides = array<i32>} : memref<128x128xf32, #tpu.memory_space<vmem>>, vector<1x16xf32>,
        %get3A_274 = arith.index_cast %add3A_248 : i32 to index
        %get3A_275 = arith.constant 48 : index
        %get3A_276 = tpu.vector_load %arg13[%get3A_274, %get3A_275] {strides = array<i32>} : memref<128x128xf32, #tpu.memory_space<vmem>>, vector<1x16xf32>,
        %get3A_277 = vector.shape_cast %get3A_276 : vector<1x16xf32> to vector<16xf32>
        %swap3A_278 = arith.index_cast %add3A_248 : i32 to index
        %swap3A_279 = arith.constant 48 : index
        %swap3A_280 = tpu.vector_load %arg10[%swap3A_278, %swap3A_279] {strides = array<i32>} : memref<128x128xf32, #tpu.memory_space<vmem>>, vector<1x16xf32>,
        %swap3A_281 = vector.shape_cast %swap3A_280 : vector<1x16xf32> to vector<16xf32>
        %swap3A_282 = vector.shape_cast %get3A_277 : vector<16xf32> to vector<1x16xf32>
        tpu.vector_store %arg10[%swap3A_278, %swap3A_279], %swap3A_282 {add = true, strides = array<i32>} : memref<128x128xf32, #tpu.memory_space<vmem>>, vector<1x16xf32>,
        %get3A_283 = arith.index_cast %add3A_248 : i32 to index
        %get3A_284 = arith.constant 64 : index
        %get3A_285 = tpu.vector_load %arg13[%get3A_283, %get3A_284] {strides = array<i32>} : memref<128x128xf32, #tpu.memory_space<vmem>>, vector<1x16xf32>,
        %get3A_286 = vector.shape_cast %get3A_285 : vector<1x16xf32> to vector<16xf32>
        %swap3A_287 = arith.index_cast %add3A_248 : i32 to index
        %swap3A_288 = arith.constant 64 : index
        %swap3A_289 = tpu.vector_load %arg10[%swap3A_287, %swap3A_288] {strides = array<i32>} : memref<128x128xf32, #tpu.memory_space<vmem>>, vector<1x16xf32>,
        %swap3A_290 = vector.shape_cast %swap3A_289 : vector<1x16xf32> to vector<16xf32>
        %swap3A_291 = vector.shape_cast %get3A_286 : vector<16xf32> to vector<1x16xf32>
        tpu.vector_store %arg10[%swap3A_287, %swap3A_288], %swap3A_291 {add = true, strides = array<i32>} : memref<128x128xf32, #tpu.memory_space<vmem>>, vector<1x16xf32>,
        %get3A_292 = arith.index_cast %add3A_248 : i32 to index
        %get3A_293 = arith.constant 80 : index
        %get3A_294 = tpu.vector_load %arg13[%get3A_292, %get3A_293] {strides = array<i32>} : memref<128x128xf32, #tpu.memory_space<vmem>>, vector<1x16xf32>,
        %get3A_295 = vector.shape_cast %get3A_294 : vector<1x16xf32> to vector<16xf32>
        %swap3A_296 = arith.index_cast %add3A_248 : i32 to index
        %swap3A_297 = arith.constant 80 : index
        %swap3A_298 = tpu.vector_load %arg10[%swap3A_296, %swap3A_297] {strides = array<i32>} : memref<128x128xf32, #tpu.memory_space<vmem>>, vector<1x16xf32>,
        %swap3A_299 = vector.shape_cast %swap3A_298 : vector<1x16xf32> to vector<16xf32>
        %swap3A_300 = vector.shape_cast %get3A_295 : vector<16xf32> to vector<1x16xf32>
        tpu.vector_store %arg10[%swap3A_296, %swap3A_297], %swap3A_300 {add = true, strides = array<i32>} : memref<128x128xf32, #tpu.memory_space<vmem>>, vector<1x16xf32>,
        %get3A_301 = arith.index_cast %add3A_248 : i32 to index
        %get3A_302 = arith.constant 96 : index
        %get3A_303 = tpu.vector_load %arg13[%get3A_301, %get3A_302] {strides = array<i32>} : memref<128x128xf32, #tpu.memory_space<vmem>>, vector<1x16xf32>,
        %get3A_304 = vector.shape_cast %get3A_303 : vector<1x16xf32> to vector<16xf32>
        %swap3A_305 = arith.index_cast %add3A_248 : i32 to index
        %swap3A_306 = arith.constant 96 : index
        %swap3A_307 = tpu.vector_load %arg10[%swap3A_305, %swap3A_306] {strides = array<i32>} : memref<128x128xf32, #tpu.memory_space<vmem>>, vector<1x16xf32>,
        %swap3A_308 = vector.shape_cast %swap3A_307 : vector<1x16xf32> to vector<16xf32>
        %swap3A_309 = vector.shape_cast %get3A_304 : vector<16xf32> to vector<1x16xf32>
        tpu.vector_store %arg10[%swap3A_305, %swap3A_306], %swap3A_309 {add = true, strides = array<i32>} : memref<128x128xf32, #tpu.memory_space<vmem>>, vector<1x16xf32>,
        %get3A_310 = arith.index_cast %add3A_248 : i32 to index
        %get3A_311 = arith.constant 112 : index
        %get3A_312 = tpu.vector_load %arg13[%get3A_310, %get3A_311] {strides = array<i32>} : memref<128x128xf32, #tpu.memory_space<vmem>>, vector<1x16xf32>,
        %get3A_313 = vector.shape_cast %get3A_312 : vector<1x16xf32> to vector<16xf32>
        %swap3A_314 = arith.index_cast %add3A_248 : i32 to index
        %swap3A_315 = arith.constant 112 : index
        %swap3A_316 = tpu.vector_load %arg10[%swap3A_314, %swap3A_315] {strides = array<i32>} : memref<128x128xf32, #tpu.memory_space<vmem>>, vector<1x16xf32>,
        %swap3A_317 = vector.shape_cast %swap3A_316 : vector<1x16xf32> to vector<16xf32>
        %swap3A_318 = vector.shape_cast %get3A_313 : vector<16xf32> to vector<1x16xf32>
        tpu.vector_store %arg10[%swap3A_314, %swap3A_315], %swap3A_318 {add = true, strides = array<i32>} : memref<128x128xf32, #tpu.memory_space<vmem>>, vector<1x16xf32>,
        %mul3A_319 = arith.constant 2 : i32
        %mul3A_320 = arith.muli %mul3A_319, %scan3A_244 : i32
        %add3A_321 = arith.constant 1 : i32
        %add3A_322 = arith.addi %mul3A_320, %add3A_321 : i32
        %get3A_323 = arith.index_cast %add3A_322 : i32 to index
        %get3A_324 = arith.constant 0 : index
        %get3A_325 = tpu.vector_load %arg13[%get3A_323, %get3A_324] {strides = array<i32>} : memref<128x128xf32, #tpu.memory_space<vmem>>, vector<1x16xf32>,
        %get3A_326 = vector.shape_cast %get3A_325 : vector<1x16xf32> to vector<16xf32>
        %swap3A_327 = arith.index_cast %add3A_322 : i32 to index
        %swap3A_328 = arith.constant 0 : index
        %swap3A_329 = tpu.vector_load %arg10[%swap3A_327, %swap3A_328] {strides = array<i32>} : memref<128x128xf32, #tpu.memory_space<vmem>>, vector<1x16xf32>,
        %swap3A_330 = vector.shape_cast %swap3A_329 : vector<1x16xf32> to vector<16xf32>
        %swap3A_331 = vector.shape_cast %get3A_326 : vector<16xf32> to vector<1x16xf32>
        tpu.vector_store %arg10[%swap3A_327, %swap3A_328], %swap3A_331 {add = true, strides = array<i32>} : memref<128x128xf32, #tpu.memory_space<vmem>>, vector<1x16xf32>,
        %get3A_332 = arith.index_cast %add3A_322 : i32 to index
        %get3A_333 = arith.constant 16 : index
        %get3A_334 = tpu.vector_load %arg13[%get3A_332, %get3A_333] {strides = array<i32>} : memref<128x128xf32, #tpu.memory_space<vmem>>, vector<1x16xf32>,
        %get3A_335 = vector.shape_cast %get3A_334 : vector<1x16xf32> to vector<16xf32>
        %swap3A_336 = arith.index_cast %add3A_322 : i32 to index
        %swap3A_337 = arith.constant 16 : index
        %swap3A_338 = tpu.vector_load %arg10[%swap3A_336, %swap3A_337] {strides = array<i32>} : memref<128x128xf32, #tpu.memory_space<vmem>>, vector<1x16xf32>,
        %swap3A_339 = vector.shape_cast %swap3A_338 : vector<1x16xf32> to vector<16xf32>
        %swap3A_340 = vector.shape_cast %get3A_335 : vector<16xf32> to vector<1x16xf32>
        tpu.vector_store %arg10[%swap3A_336, %swap3A_337], %swap3A_340 {add = true, strides = array<i32>} : memref<128x128xf32, #tpu.memory_space<vmem>>, vector<1x16xf32>,
        %get3A_341 = arith.index_cast %add3A_322 : i32 to index
        %get3A_342 = arith.constant 32 : index
        %get3A_343 = tpu.vector_load %arg13[%get3A_341, %get3A_342] {strides = array<i32>} : memref<128x128xf32, #tpu.memory_space<vmem>>, vector<1x16xf32>,
        %get3A_344 = vector.shape_cast %get3A_343 : vector<1x16xf32> to vector<16xf32>
        %swap3A_345 = arith.index_cast %add3A_322 : i32 to index
        %swap3A_346 = arith.constant 32 : index
        %swap3A_347 = tpu.vector_load %arg10[%swap3A_345, %swap3A_346] {strides = array<i32>} : memref<128x128xf32, #tpu.memory_space<vmem>>, vector<1x16xf32>,
        %swap3A_348 = vector.shape_cast %swap3A_347 : vector<1x16xf32> to vector<16xf32>
        %swap3A_349 = vector.shape_cast %get3A_344 : vector<16xf32> to vector<1x16xf32>
        tpu.vector_store %arg10[%swap3A_345, %swap3A_346], %swap3A_349 {add = true, strides = array<i32>} : memref<128x128xf32, #tpu.memory_space<vmem>>, vector<1x16xf32>,
        %get3A_350 = arith.index_cast %add3A_322 : i32 to index
        %get3A_351 = arith.constant 48 : index
        %get3A_352 = tpu.vector_load %arg13[%get3A_350, %get3A_351] {strides = array<i32>} : memref<128x128xf32, #tpu.memory_space<vmem>>, vector<1x16xf32>,
        %get3A_353 = vector.shape_cast %get3A_352 : vector<1x16xf32> to vector<16xf32>
        %swap3A_354 = arith.index_cast %add3A_322 : i32 to index
        %swap3A_355 = arith.constant 48 : index
        %swap3A_356 = tpu.vector_load %arg10[%swap3A_354, %swap3A_355] {strides = array<i32>} : memref<128x128xf32, #tpu.memory_space<vmem>>, vector<1x16xf32>,
        %swap3A_357 = vector.shape_cast %swap3A_356 : vector<1x16xf32> to vector<16xf32>
        %swap3A_358 = vector.shape_cast %get3A_353 : vector<16xf32> to vector<1x16xf32>
        tpu.vector_store %arg10[%swap3A_354, %swap3A_355], %swap3A_358 {add = true, strides = array<i32>} : memref<128x128xf32, #tpu.memory_space<vmem>>, vector<1x16xf32>,
        %get3A_359 = arith.index_cast %add3A_322 : i32 to index
        %get3A_360 = arith.constant 64 : index
        %get3A_361 = tpu.vector_load %arg13[%get3A_359, %get3A_360] {strides = array<i32>} : memref<128x128xf32, #tpu.memory_space<vmem>>, vector<1x16xf32>,
        %get3A_362 = vector.shape_cast %get3A_361 : vector<1x16xf32> to vector<16xf32>
        %swap3A_363 = arith.index_cast %add3A_322 : i32 to index
        %swap3A_364 = arith.constant 64 : index
        %swap3A_365 = tpu.vector_load %arg10[%swap3A_363, %swap3A_364] {strides = array<i32>} : memref<128x128xf32, #tpu.memory_space<vmem>>, vector<1x16xf32>,
        %swap3A_366 = vector.shape_cast %swap3A_365 : vector<1x16xf32> to vector<16xf32>
        %swap3A_367 = vector.shape_cast %get3A_362 : vector<16xf32> to vector<1x16xf32>
        tpu.vector_store %arg10[%swap3A_363, %swap3A_364], %swap3A_367 {add = true, strides = array<i32>} : memref<128x128xf32, #tpu.memory_space<vmem>>, vector<1x16xf32>,
        %get3A_368 = arith.index_cast %add3A_322 : i32 to index
        %get3A_369 = arith.constant 80 : index
        %get3A_370 = tpu.vector_load %arg13[%get3A_368, %get3A_369] {strides = array<i32>} : memref<128x128xf32, #tpu.memory_space<vmem>>, vector<1x16xf32>,
        %get3A_371 = vector.shape_cast %get3A_370 : vector<1x16xf32> to vector<16xf32>
        %swap3A_372 = arith.index_cast %add3A_322 : i32 to index
        %swap3A_373 = arith.constant 80 : index
        %swap3A_374 = tpu.vector_load %arg10[%swap3A_372, %swap3A_373] {strides = array<i32>} : memref<128x128xf32, #tpu.memory_space<vmem>>, vector<1x16xf32>,
        %swap3A_375 = vector.shape_cast %swap3A_374 : vector<1x16xf32> to vector<16xf32>
        %swap3A_376 = vector.shape_cast %get3A_371 : vector<16xf32> to vector<1x16xf32>
        tpu.vector_store %arg10[%swap3A_372, %swap3A_373], %swap3A_376 {add = true, strides = array<i32>} : memref<128x128xf32, #tpu.memory_space<vmem>>, vector<1x16xf32>,
        %get3A_377 = arith.index_cast %add3A_322 : i32 to index
        %get3A_378 = arith.constant 96 : index
        %get3A_379 = tpu.vector_load %arg13[%get3A_377, %get3A_378] {strides = array<i32>} : memref<128x128xf32, #tpu.memory_space<vmem>>, vector<1x16xf32>,
        %get3A_380 = vector.shape_cast %get3A_379 : vector<1x16xf32> to vector<16xf32>
        %swap3A_381 = arith.index_cast %add3A_322 : i32 to index
        %swap3A_382 = arith.constant 96 : index
        %swap3A_383 = tpu.vector_load %arg10[%swap3A_381, %swap3A_382] {strides = array<i32>} : memref<128x128xf32, #tpu.memory_space<vmem>>, vector<1x16xf32>,
        %swap3A_384 = vector.shape_cast %swap3A_383 : vector<1x16xf32> to vector<16xf32>
        %swap3A_385 = vector.shape_cast %get3A_380 : vector<16xf32> to vector<1x16xf32>
        tpu.vector_store %arg10[%swap3A_381, %swap3A_382], %swap3A_385 {add = true, strides = array<i32>} : memref<128x128xf32, #tpu.memory_space<vmem>>, vector<1x16xf32>,
        %get3A_386 = arith.index_cast %add3A_322 : i32 to index
        %get3A_387 = arith.constant 112 : index
        %get3A_388 = tpu.vector_load %arg13[%get3A_386, %get3A_387] {strides = array<i32>} : memref<128x128xf32, #tpu.memory_space<vmem>>, vector<1x16xf32>,
        %get3A_389 = vector.shape_cast %get3A_388 : vector<1x16xf32> to vector<16xf32>
        %swap3A_390 = arith.index_cast %add3A_322 : i32 to index
        %swap3A_391 = arith.constant 112 : index
        %swap3A_392 = tpu.vector_load %arg10[%swap3A_390, %swap3A_391] {strides = array<i32>} : memref<128x128xf32, #tpu.memory_space<vmem>>, vector<1x16xf32>,
        %swap3A_393 = vector.shape_cast %swap3A_392 : vector<1x16xf32> to vector<16xf32>
        %swap3A_394 = vector.shape_cast %get3A_389 : vector<16xf32> to vector<1x16xf32>
        tpu.vector_store %arg10[%swap3A_390, %swap3A_391], %swap3A_394 {add = true, strides = array<i32>} : memref<128x128xf32, #tpu.memory_space<vmem>>, vector<1x16xf32>,
      }
      %scan3A_171 = arith.constant 64 : i32
      %mul3A_172 = arith.constant 128 : i32
      %mul3A_173 = arith.muli %add3A_151, %mul3A_172 : i32
      %add3A_174 = arith.addi %mul3A_2, %mul3A_173 : i32
      %dma_start3A_175 = arith.constant 0 : i32
      %dma_start3A_176 = tpu.memref_slice %arg6[%add3A_174, %dma_start3A_175] : memref<204800x128xf32, #tpu.memory_space<hbm>> -> memref<128x128xf32, #tpu.memory_space<hbm>>
      %dma_start3A_177 = arith.constant 0 : i32
      %dma_start3A_178 = tpu.memref_slice %arg6[%add3A_174, %dma_start3A_177] : memref<204800x128xf32, #tpu.memory_space<hbm>> -> memref<128x128xf32, #tpu.memory_space<hbm>>
      tpu.enqueue_dma source(%arg10 : memref<128x128xf32, #tpu.memory_space<vmem>>) target(%dma_start3A_178 : memref<128x128xf32, #tpu.memory_space<hbm>>) target_semaphore(%arg19 : memref<!tpu.dma_semaphore, #tpu.memory_space<semaphore_mem>>)
      %ge3A_179 = arith.constant 1 : i32
      %ge3A_180 = arith.cmpi sge, %add3A_151, %ge3A_179 : i32
      %add3A_181 = arith.constant 2 : i32
      %add3A_182 = arith.addi %add3A_151, %add3A_181 : i32
      %lt3A_183 = arith.constant 50 : i32
      %lt3A_184 = arith.cmpi slt, %add3A_182, %lt3A_183 : i32
      %and3A_185 = arith.andi %ge3A_180, %lt3A_184 : i1
      %convert_element_type3A_186 = arith.extui %and3A_185 : i1 to i32
      %cond3A_187 = arith.constant 0 : i32
      %cond3A_188 = arith.cmpi ne, %convert_element_type3A_186, %cond3A_187 : i32
      scf.if %cond3A_188 {
        %dma_wait3A_244 = arith.constant 0 : i32
        %dma_wait3A_245 = arith.constant 0 : i32
        %dma_wait3A_246 = tpu.memref_slice %arg6[%dma_wait3A_244, %dma_wait3A_245] : memref<204800x128xf32, #tpu.memory_space<hbm>> -> memref<128x128xf32, #tpu.memory_space<hbm>>
        %dma_wait3A_247 = arith.constant 0 : i32
        %dma_wait3A_248 = arith.constant 0 : i32
        %dma_wait3A_249 = tpu.memref_slice %arg6[%dma_wait3A_247, %dma_wait3A_248] : memref<204800x128xf32, #tpu.memory_space<hbm>> -> memref<128x128xf32, #tpu.memory_space<hbm>>
        tpu.wait_dma2 semaphore(%arg18 : memref<!tpu.dma_semaphore, #tpu.memory_space<semaphore_mem>>) src(%arg9 : memref<128x128xf32, #tpu.memory_space<vmem>>) dst(%dma_wait3A_249 : memref<128x128xf32, #tpu.memory_space<hbm>>)
      } else {
      }
      %add3A_189 = arith.constant 2 : i32
      %add3A_190 = arith.addi %add3A_151, %add3A_189 : i32
      %lt3A_191 = arith.constant 50 : i32
      %lt3A_192 = arith.cmpi slt, %add3A_190, %lt3A_191 : i32
      %convert_element_type3A_193 = arith.extui %lt3A_192 : i1 to i32
      %cond3A_194 = arith.constant 0 : i32
      %cond3A_195 = arith.cmpi ne, %convert_element_type3A_193, %cond3A_194 : i32
      scf.if %cond3A_195 {
        %add3A_244 = arith.constant 2 : i32
        %add3A_245 = arith.addi %add3A_151, %add3A_244 : i32
        %dma_start3A_246 = arith.constant 0 : i32
        %dma_start3A_247 = tpu.memref_slice %arg7[%add3A_245, %dma_start3A_246] : memref<50x128xi32, #tpu.memory_space<vmem>> -> memref<1x128xi32, #tpu.memory_space<vmem>>
        %dma_start3A_248 = tpu.memref_squeeze %dma_start3A_247 : memref<1x128xi32, #tpu.memory_space<vmem>> -> memref<128xi32, #tpu.memory_space<vmem>>
        %dma_start3A_249 = arith.constant 0 : i32
        %dma_start3A_250 = arith.constant 0 : i32
        %dma_start3A_251 = tpu.memref_slice %arg4[%dma_start3A_249, %dma_start3A_250] : memref<100000x128xf32, #tpu.memory_space<hbm>> -> memref<100000x128xf32, #tpu.memory_space<hbm>>
        tpu.enqueue_indirect_dma source(%dma_start3A_251 : memref<100000x128xf32, #tpu.memory_space<hbm>>) target(%arg9 : memref<128x128xf32, #tpu.memory_space<vmem>>) offsets(%dma_start3A_248 : memref<128xi32, #tpu.memory_space<vmem>>) semaphore(%arg15 : memref<!tpu.dma_semaphore, #tpu.memory_space<semaphore_mem>>)
        %dma_start3A_252 = arith.constant 0 : i32
        %dma_start3A_253 = tpu.memref_slice %arg8[%add3A_245, %dma_start3A_252] : memref<50x128xi32, #tpu.memory_space<vmem>> -> memref<1x128xi32, #tpu.memory_space<vmem>>
        %dma_start3A_254 = tpu.memref_squeeze %dma_start3A_253 : memref<1x128xi32, #tpu.memory_space<vmem>> -> memref<128xi32, #tpu.memory_space<vmem>>
        %dma_start3A_255 = arith.constant 0 : i32
        %dma_start3A_256 = arith.constant 0 : i32
        %dma_start3A_257 = tpu.memref_slice %arg5[%dma_start3A_255, %dma_start3A_256] : memref<600x128xf32, #tpu.memory_space<hbm>> -> memref<600x128xf32, #tpu.memory_space<hbm>>
        tpu.enqueue_indirect_dma source(%dma_start3A_257 : memref<600x128xf32, #tpu.memory_space<hbm>>) target(%arg12 : memref<128x128xf32, #tpu.memory_space<vmem>>) offsets(%dma_start3A_254 : memref<128xi32, #tpu.memory_space<vmem>>) semaphore(%arg15 : memref<!tpu.dma_semaphore, #tpu.memory_space<semaphore_mem>>)
      } else {
      }
      %mul3A_196 = arith.constant 3 : i32
      %mul3A_197 = arith.muli %mul3A_196, %scan3A_104 : i32
      %add3A_198 = arith.constant 2 : i32
      %add3A_199 = arith.addi %mul3A_197, %add3A_198 : i32
      %dma_wait3A_200 = arith.constant 0 : i32
      %dma_wait3A_201 = arith.constant 0 : i32
      %dma_wait3A_202 = tpu.memref_slice %arg7[%dma_wait3A_200, %dma_wait3A_201] : memref<50x128xi32, #tpu.memory_space<vmem>> -> memref<1x128xi32, #tpu.memory_space<vmem>>
      %dma_wait3A_203 = tpu.memref_squeeze %dma_wait3A_202 : memref<1x128xi32, #tpu.memory_space<vmem>> -> memref<128xi32, #tpu.memory_space<vmem>>
      %dma_wait3A_204 = arith.constant 0 : i32
      %dma_wait3A_205 = arith.constant 0 : i32
      %dma_wait3A_206 = tpu.memref_slice %arg4[%dma_wait3A_204, %dma_wait3A_205] : memref<100000x128xf32, #tpu.memory_space<hbm>> -> memref<100000x128xf32, #tpu.memory_space<hbm>>
      tpu.wait_indirect_dma semaphore(%arg17 : memref<!tpu.dma_semaphore, #tpu.memory_space<semaphore_mem>>) src(%dma_wait3A_206 : memref<100000x128xf32, #tpu.memory_space<hbm>>) dst(%arg11 : memref<128x128xf32, #tpu.memory_space<vmem>>)
      %dma_wait3A_207 = arith.constant 0 : i32
      %dma_wait3A_208 = arith.constant 0 : i32
      %dma_wait3A_209 = tpu.memref_slice %arg8[%dma_wait3A_207, %dma_wait3A_208] : memref<50x128xi32, #tpu.memory_space<vmem>> -> memref<1x128xi32, #tpu.memory_space<vmem>>
      %dma_wait3A_210 = tpu.memref_squeeze %dma_wait3A_209 : memref<1x128xi32, #tpu.memory_space<vmem>> -> memref<128xi32, #tpu.memory_space<vmem>>
      %dma_wait3A_211 = arith.constant 0 : i32
      %dma_wait3A_212 = arith.constant 0 : i32
      %dma_wait3A_213 = tpu.memref_slice %arg5[%dma_wait3A_211, %dma_wait3A_212] : memref<600x128xf32, #tpu.memory_space<hbm>> -> memref<600x128xf32, #tpu.memory_space<hbm>>
      tpu.wait_indirect_dma semaphore(%arg17 : memref<!tpu.dma_semaphore, #tpu.memory_space<semaphore_mem>>) src(%dma_wait3A_213 : memref<600x128xf32, #tpu.memory_space<hbm>>) dst(%arg14 : memref<128x128xf32, #tpu.memory_space<vmem>>)
      %scan3A_214 = arith.constant 0 : i32
      %scan3A_215 = arith.constant 0 : i32
      %scan3A_216 = arith.constant 64 : i32
      %scan3A_217 = arith.addi %scan3A_215, %scan3A_216 : i32
      %scan3A_218 = arith.constant 1 : i32
      scf.for %scan3A_244 = %scan3A_215 to %scan3A_217 step %scan3A_218  : i32 {
        %mul3A_245 = arith.constant 2 : i32
        %mul3A_246 = arith.muli %mul3A_245, %scan3A_244 : i32
        %add3A_247 = arith.constant 0 : i32
        %add3A_248 = arith.addi %mul3A_246, %add3A_247 : i32
        %get3A = arith.index_cast %add3A_248 : i32 to index
        %get3A_249 = arith.constant 0 : index
        %get3A_250 = tpu.vector_load %arg14[%get3A, %get3A_249] {strides = array<i32>} : memref<128x128xf32, #tpu.memory_space<vmem>>, vector<1x16xf32>,
        %get3A_251 = vector.shape_cast %get3A_250 : vector<1x16xf32> to vector<16xf32>
        %swap3A = arith.index_cast %add3A_248 : i32 to index
        %swap3A_252 = arith.constant 0 : index
        %swap3A_253 = tpu.vector_load %arg11[%swap3A, %swap3A_252] {strides = array<i32>} : memref<128x128xf32, #tpu.memory_space<vmem>>, vector<1x16xf32>,
        %swap3A_254 = vector.shape_cast %swap3A_253 : vector<1x16xf32> to vector<16xf32>
        %swap3A_255 = vector.shape_cast %get3A_251 : vector<16xf32> to vector<1x16xf32>
        tpu.vector_store %arg11[%swap3A, %swap3A_252], %swap3A_255 {add = true, strides = array<i32>} : memref<128x128xf32, #tpu.memory_space<vmem>>, vector<1x16xf32>,
        %get3A_256 = arith.index_cast %add3A_248 : i32 to index
        %get3A_257 = arith.constant 16 : index
        %get3A_258 = tpu.vector_load %arg14[%get3A_256, %get3A_257] {strides = array<i32>} : memref<128x128xf32, #tpu.memory_space<vmem>>, vector<1x16xf32>,
        %get3A_259 = vector.shape_cast %get3A_258 : vector<1x16xf32> to vector<16xf32>
        %swap3A_260 = arith.index_cast %add3A_248 : i32 to index
        %swap3A_261 = arith.constant 16 : index
        %swap3A_262 = tpu.vector_load %arg11[%swap3A_260, %swap3A_261] {strides = array<i32>} : memref<128x128xf32, #tpu.memory_space<vmem>>, vector<1x16xf32>,
        %swap3A_263 = vector.shape_cast %swap3A_262 : vector<1x16xf32> to vector<16xf32>
        %swap3A_264 = vector.shape_cast %get3A_259 : vector<16xf32> to vector<1x16xf32>
        tpu.vector_store %arg11[%swap3A_260, %swap3A_261], %swap3A_264 {add = true, strides = array<i32>} : memref<128x128xf32, #tpu.memory_space<vmem>>, vector<1x16xf32>,
        %get3A_265 = arith.index_cast %add3A_248 : i32 to index
        %get3A_266 = arith.constant 32 : index
        %get3A_267 = tpu.vector_load %arg14[%get3A_265, %get3A_266] {strides = array<i32>} : memref<128x128xf32, #tpu.memory_space<vmem>>, vector<1x16xf32>,
        %get3A_268 = vector.shape_cast %get3A_267 : vector<1x16xf32> to vector<16xf32>
        %swap3A_269 = arith.index_cast %add3A_248 : i32 to index
        %swap3A_270 = arith.constant 32 : index
        %swap3A_271 = tpu.vector_load %arg11[%swap3A_269, %swap3A_270] {strides = array<i32>} : memref<128x128xf32, #tpu.memory_space<vmem>>, vector<1x16xf32>,
        %swap3A_272 = vector.shape_cast %swap3A_271 : vector<1x16xf32> to vector<16xf32>
        %swap3A_273 = vector.shape_cast %get3A_268 : vector<16xf32> to vector<1x16xf32>
        tpu.vector_store %arg11[%swap3A_269, %swap3A_270], %swap3A_273 {add = true, strides = array<i32>} : memref<128x128xf32, #tpu.memory_space<vmem>>, vector<1x16xf32>,
        %get3A_274 = arith.index_cast %add3A_248 : i32 to index
        %get3A_275 = arith.constant 48 : index
        %get3A_276 = tpu.vector_load %arg14[%get3A_274, %get3A_275] {strides = array<i32>} : memref<128x128xf32, #tpu.memory_space<vmem>>, vector<1x16xf32>,
        %get3A_277 = vector.shape_cast %get3A_276 : vector<1x16xf32> to vector<16xf32>
        %swap3A_278 = arith.index_cast %add3A_248 : i32 to index
        %swap3A_279 = arith.constant 48 : index
        %swap3A_280 = tpu.vector_load %arg11[%swap3A_278, %swap3A_279] {strides = array<i32>} : memref<128x128xf32, #tpu.memory_space<vmem>>, vector<1x16xf32>,
        %swap3A_281 = vector.shape_cast %swap3A_280 : vector<1x16xf32> to vector<16xf32>
        %swap3A_282 = vector.shape_cast %get3A_277 : vector<16xf32> to vector<1x16xf32>
        tpu.vector_store %arg11[%swap3A_278, %swap3A_279], %swap3A_282 {add = true, strides = array<i32>} : memref<128x128xf32, #tpu.memory_space<vmem>>, vector<1x16xf32>,
        %get3A_283 = arith.index_cast %add3A_248 : i32 to index
        %get3A_284 = arith.constant 64 : index
        %get3A_285 = tpu.vector_load %arg14[%get3A_283, %get3A_284] {strides = array<i32>} : memref<128x128xf32, #tpu.memory_space<vmem>>, vector<1x16xf32>,
        %get3A_286 = vector.shape_cast %get3A_285 : vector<1x16xf32> to vector<16xf32>
        %swap3A_287 = arith.index_cast %add3A_248 : i32 to index
        %swap3A_288 = arith.constant 64 : index
        %swap3A_289 = tpu.vector_load %arg11[%swap3A_287, %swap3A_288] {strides = array<i32>} : memref<128x128xf32, #tpu.memory_space<vmem>>, vector<1x16xf32>,
        %swap3A_290 = vector.shape_cast %swap3A_289 : vector<1x16xf32> to vector<16xf32>
        %swap3A_291 = vector.shape_cast %get3A_286 : vector<16xf32> to vector<1x16xf32>
        tpu.vector_store %arg11[%swap3A_287, %swap3A_288], %swap3A_291 {add = true, strides = array<i32>} : memref<128x128xf32, #tpu.memory_space<vmem>>, vector<1x16xf32>,
        %get3A_292 = arith.index_cast %add3A_248 : i32 to index
        %get3A_293 = arith.constant 80 : index
        %get3A_294 = tpu.vector_load %arg14[%get3A_292, %get3A_293] {strides = array<i32>} : memref<128x128xf32, #tpu.memory_space<vmem>>, vector<1x16xf32>,
        %get3A_295 = vector.shape_cast %get3A_294 : vector<1x16xf32> to vector<16xf32>
        %swap3A_296 = arith.index_cast %add3A_248 : i32 to index
        %swap3A_297 = arith.constant 80 : index
        %swap3A_298 = tpu.vector_load %arg11[%swap3A_296, %swap3A_297] {strides = array<i32>} : memref<128x128xf32, #tpu.memory_space<vmem>>, vector<1x16xf32>,
        %swap3A_299 = vector.shape_cast %swap3A_298 : vector<1x16xf32> to vector<16xf32>
        %swap3A_300 = vector.shape_cast %get3A_295 : vector<16xf32> to vector<1x16xf32>
        tpu.vector_store %arg11[%swap3A_296, %swap3A_297], %swap3A_300 {add = true, strides = array<i32>} : memref<128x128xf32, #tpu.memory_space<vmem>>, vector<1x16xf32>,
        %get3A_301 = arith.index_cast %add3A_248 : i32 to index
        %get3A_302 = arith.constant 96 : index
        %get3A_303 = tpu.vector_load %arg14[%get3A_301, %get3A_302] {strides = array<i32>} : memref<128x128xf32, #tpu.memory_space<vmem>>, vector<1x16xf32>,
        %get3A_304 = vector.shape_cast %get3A_303 : vector<1x16xf32> to vector<16xf32>
        %swap3A_305 = arith.index_cast %add3A_248 : i32 to index
        %swap3A_306 = arith.constant 96 : index
        %swap3A_307 = tpu.vector_load %arg11[%swap3A_305, %swap3A_306] {strides = array<i32>} : memref<128x128xf32, #tpu.memory_space<vmem>>, vector<1x16xf32>,
        %swap3A_308 = vector.shape_cast %swap3A_307 : vector<1x16xf32> to vector<16xf32>
        %swap3A_309 = vector.shape_cast %get3A_304 : vector<16xf32> to vector<1x16xf32>
        tpu.vector_store %arg11[%swap3A_305, %swap3A_306], %swap3A_309 {add = true, strides = array<i32>} : memref<128x128xf32, #tpu.memory_space<vmem>>, vector<1x16xf32>,
        %get3A_310 = arith.index_cast %add3A_248 : i32 to index
        %get3A_311 = arith.constant 112 : index
        %get3A_312 = tpu.vector_load %arg14[%get3A_310, %get3A_311] {strides = array<i32>} : memref<128x128xf32, #tpu.memory_space<vmem>>, vector<1x16xf32>,
        %get3A_313 = vector.shape_cast %get3A_312 : vector<1x16xf32> to vector<16xf32>
        %swap3A_314 = arith.index_cast %add3A_248 : i32 to index
        %swap3A_315 = arith.constant 112 : index
        %swap3A_316 = tpu.vector_load %arg11[%swap3A_314, %swap3A_315] {strides = array<i32>} : memref<128x128xf32, #tpu.memory_space<vmem>>, vector<1x16xf32>,
        %swap3A_317 = vector.shape_cast %swap3A_316 : vector<1x16xf32> to vector<16xf32>
        %swap3A_318 = vector.shape_cast %get3A_313 : vector<16xf32> to vector<1x16xf32>
        tpu.vector_store %arg11[%swap3A_314, %swap3A_315], %swap3A_318 {add = true, strides = array<i32>} : memref<128x128xf32, #tpu.memory_space<vmem>>, vector<1x16xf32>,
        %mul3A_319 = arith.constant 2 : i32
        %mul3A_320 = arith.muli %mul3A_319, %scan3A_244 : i32
        %add3A_321 = arith.constant 1 : i32
        %add3A_322 = arith.addi %mul3A_320, %add3A_321 : i32
        %get3A_323 = arith.index_cast %add3A_322 : i32 to index
        %get3A_324 = arith.constant 0 : index
        %get3A_325 = tpu.vector_load %arg14[%get3A_323, %get3A_324] {strides = array<i32>} : memref<128x128xf32, #tpu.memory_space<vmem>>, vector<1x16xf32>,
        %get3A_326 = vector.shape_cast %get3A_325 : vector<1x16xf32> to vector<16xf32>
        %swap3A_327 = arith.index_cast %add3A_322 : i32 to index
        %swap3A_328 = arith.constant 0 : index
        %swap3A_329 = tpu.vector_load %arg11[%swap3A_327, %swap3A_328] {strides = array<i32>} : memref<128x128xf32, #tpu.memory_space<vmem>>, vector<1x16xf32>,
        %swap3A_330 = vector.shape_cast %swap3A_329 : vector<1x16xf32> to vector<16xf32>
        %swap3A_331 = vector.shape_cast %get3A_326 : vector<16xf32> to vector<1x16xf32>
        tpu.vector_store %arg11[%swap3A_327, %swap3A_328], %swap3A_331 {add = true, strides = array<i32>} : memref<128x128xf32, #tpu.memory_space<vmem>>, vector<1x16xf32>,
        %get3A_332 = arith.index_cast %add3A_322 : i32 to index
        %get3A_333 = arith.constant 16 : index
        %get3A_334 = tpu.vector_load %arg14[%get3A_332, %get3A_333] {strides = array<i32>} : memref<128x128xf32, #tpu.memory_space<vmem>>, vector<1x16xf32>,
        %get3A_335 = vector.shape_cast %get3A_334 : vector<1x16xf32> to vector<16xf32>
        %swap3A_336 = arith.index_cast %add3A_322 : i32 to index
        %swap3A_337 = arith.constant 16 : index
        %swap3A_338 = tpu.vector_load %arg11[%swap3A_336, %swap3A_337] {strides = array<i32>} : memref<128x128xf32, #tpu.memory_space<vmem>>, vector<1x16xf32>,
        %swap3A_339 = vector.shape_cast %swap3A_338 : vector<1x16xf32> to vector<16xf32>
        %swap3A_340 = vector.shape_cast %get3A_335 : vector<16xf32> to vector<1x16xf32>
        tpu.vector_store %arg11[%swap3A_336, %swap3A_337], %swap3A_340 {add = true, strides = array<i32>} : memref<128x128xf32, #tpu.memory_space<vmem>>, vector<1x16xf32>,
        %get3A_341 = arith.index_cast %add3A_322 : i32 to index
        %get3A_342 = arith.constant 32 : index
        %get3A_343 = tpu.vector_load %arg14[%get3A_341, %get3A_342] {strides = array<i32>} : memref<128x128xf32, #tpu.memory_space<vmem>>, vector<1x16xf32>,
        %get3A_344 = vector.shape_cast %get3A_343 : vector<1x16xf32> to vector<16xf32>
        %swap3A_345 = arith.index_cast %add3A_322 : i32 to index
        %swap3A_346 = arith.constant 32 : index
        %swap3A_347 = tpu.vector_load %arg11[%swap3A_345, %swap3A_346] {strides = array<i32>} : memref<128x128xf32, #tpu.memory_space<vmem>>, vector<1x16xf32>,
        %swap3A_348 = vector.shape_cast %swap3A_347 : vector<1x16xf32> to vector<16xf32>
        %swap3A_349 = vector.shape_cast %get3A_344 : vector<16xf32> to vector<1x16xf32>
        tpu.vector_store %arg11[%swap3A_345, %swap3A_346], %swap3A_349 {add = true, strides = array<i32>} : memref<128x128xf32, #tpu.memory_space<vmem>>, vector<1x16xf32>,
        %get3A_350 = arith.index_cast %add3A_322 : i32 to index
        %get3A_351 = arith.constant 48 : index
        %get3A_352 = tpu.vector_load %arg14[%get3A_350, %get3A_351] {strides = array<i32>} : memref<128x128xf32, #tpu.memory_space<vmem>>, vector<1x16xf32>,
        %get3A_353 = vector.shape_cast %get3A_352 : vector<1x16xf32> to vector<16xf32>
        %swap3A_354 = arith.index_cast %add3A_322 : i32 to index
        %swap3A_355 = arith.constant 48 : index
        %swap3A_356 = tpu.vector_load %arg11[%swap3A_354, %swap3A_355] {strides = array<i32>} : memref<128x128xf32, #tpu.memory_space<vmem>>, vector<1x16xf32>,
        %swap3A_357 = vector.shape_cast %swap3A_356 : vector<1x16xf32> to vector<16xf32>
        %swap3A_358 = vector.shape_cast %get3A_353 : vector<16xf32> to vector<1x16xf32>
        tpu.vector_store %arg11[%swap3A_354, %swap3A_355], %swap3A_358 {add = true, strides = array<i32>} : memref<128x128xf32, #tpu.memory_space<vmem>>, vector<1x16xf32>,
        %get3A_359 = arith.index_cast %add3A_322 : i32 to index
        %get3A_360 = arith.constant 64 : index
        %get3A_361 = tpu.vector_load %arg14[%get3A_359, %get3A_360] {strides = array<i32>} : memref<128x128xf32, #tpu.memory_space<vmem>>, vector<1x16xf32>,
        %get3A_362 = vector.shape_cast %get3A_361 : vector<1x16xf32> to vector<16xf32>
        %swap3A_363 = arith.index_cast %add3A_322 : i32 to index
        %swap3A_364 = arith.constant 64 : index
        %swap3A_365 = tpu.vector_load %arg11[%swap3A_363, %swap3A_364] {strides = array<i32>} : memref<128x128xf32, #tpu.memory_space<vmem>>, vector<1x16xf32>,
        %swap3A_366 = vector.shape_cast %swap3A_365 : vector<1x16xf32> to vector<16xf32>
        %swap3A_367 = vector.shape_cast %get3A_362 : vector<16xf32> to vector<1x16xf32>
        tpu.vector_store %arg11[%swap3A_363, %swap3A_364], %swap3A_367 {add = true, strides = array<i32>} : memref<128x128xf32, #tpu.memory_space<vmem>>, vector<1x16xf32>,
        %get3A_368 = arith.index_cast %add3A_322 : i32 to index
        %get3A_369 = arith.constant 80 : index
        %get3A_370 = tpu.vector_load %arg14[%get3A_368, %get3A_369] {strides = array<i32>} : memref<128x128xf32, #tpu.memory_space<vmem>>, vector<1x16xf32>,
        %get3A_371 = vector.shape_cast %get3A_370 : vector<1x16xf32> to vector<16xf32>
        %swap3A_372 = arith.index_cast %add3A_322 : i32 to index
        %swap3A_373 = arith.constant 80 : index
        %swap3A_374 = tpu.vector_load %arg11[%swap3A_372, %swap3A_373] {strides = array<i32>} : memref<128x128xf32, #tpu.memory_space<vmem>>, vector<1x16xf32>,
        %swap3A_375 = vector.shape_cast %swap3A_374 : vector<1x16xf32> to vector<16xf32>
        %swap3A_376 = vector.shape_cast %get3A_371 : vector<16xf32> to vector<1x16xf32>
        tpu.vector_store %arg11[%swap3A_372, %swap3A_373], %swap3A_376 {add = true, strides = array<i32>} : memref<128x128xf32, #tpu.memory_space<vmem>>, vector<1x16xf32>,
        %get3A_377 = arith.index_cast %add3A_322 : i32 to index
        %get3A_378 = arith.constant 96 : index
        %get3A_379 = tpu.vector_load %arg14[%get3A_377, %get3A_378] {strides = array<i32>} : memref<128x128xf32, #tpu.memory_space<vmem>>, vector<1x16xf32>,
        %get3A_380 = vector.shape_cast %get3A_379 : vector<1x16xf32> to vector<16xf32>
        %swap3A_381 = arith.index_cast %add3A_322 : i32 to index
        %swap3A_382 = arith.constant 96 : index
        %swap3A_383 = tpu.vector_load %arg11[%swap3A_381, %swap3A_382] {strides = array<i32>} : memref<128x128xf32, #tpu.memory_space<vmem>>, vector<1x16xf32>,
        %swap3A_384 = vector.shape_cast %swap3A_383 : vector<1x16xf32> to vector<16xf32>
        %swap3A_385 = vector.shape_cast %get3A_380 : vector<16xf32> to vector<1x16xf32>
        tpu.vector_store %arg11[%swap3A_381, %swap3A_382], %swap3A_385 {add = true, strides = array<i32>} : memref<128x128xf32, #tpu.memory_space<vmem>>, vector<1x16xf32>,
        %get3A_386 = arith.index_cast %add3A_322 : i32 to index
        %get3A_387 = arith.constant 112 : index
        %get3A_388 = tpu.vector_load %arg14[%get3A_386, %get3A_387] {strides = array<i32>} : memref<128x128xf32, #tpu.memory_space<vmem>>, vector<1x16xf32>,
        %get3A_389 = vector.shape_cast %get3A_388 : vector<1x16xf32> to vector<16xf32>
        %swap3A_390 = arith.index_cast %add3A_322 : i32 to index
        %swap3A_391 = arith.constant 112 : index
        %swap3A_392 = tpu.vector_load %arg11[%swap3A_390, %swap3A_391] {strides = array<i32>} : memref<128x128xf32, #tpu.memory_space<vmem>>, vector<1x16xf32>,
        %swap3A_393 = vector.shape_cast %swap3A_392 : vector<1x16xf32> to vector<16xf32>
        %swap3A_394 = vector.shape_cast %get3A_389 : vector<16xf32> to vector<1x16xf32>
        tpu.vector_store %arg11[%swap3A_390, %swap3A_391], %swap3A_394 {add = true, strides = array<i32>} : memref<128x128xf32, #tpu.memory_space<vmem>>, vector<1x16xf32>,
      }
      %scan3A_219 = arith.constant 64 : i32
      %mul3A_220 = arith.constant 128 : i32
      %mul3A_221 = arith.muli %add3A_199, %mul3A_220 : i32
      %add3A_222 = arith.addi %mul3A_2, %mul3A_221 : i32
      %dma_start3A_223 = arith.constant 0 : i32
      %dma_start3A_224 = tpu.memref_slice %arg6[%add3A_222, %dma_start3A_223] : memref<204800x128xf32, #tpu.memory_space<hbm>> -> memref<128x128xf32, #tpu.memory_space<hbm>>
      %dma_start3A_225 = arith.constant 0 : i32
      %dma_start3A_226 = tpu.memref_slice %arg6[%add3A_222, %dma_start3A_225] : memref<204800x128xf32, #tpu.memory_space<hbm>> -> memref<128x128xf32, #tpu.memory_space<hbm>>
      tpu.enqueue_dma source(%arg11 : memref<128x128xf32, #tpu.memory_space<vmem>>) target(%dma_start3A_226 : memref<128x128xf32, #tpu.memory_space<hbm>>) target_semaphore(%arg20 : memref<!tpu.dma_semaphore, #tpu.memory_space<semaphore_mem>>)
      %ge3A_227 = arith.constant 1 : i32
      %ge3A_228 = arith.cmpi sge, %add3A_199, %ge3A_227 : i32
      %add3A_229 = arith.constant 2 : i32
      %add3A_230 = arith.addi %add3A_199, %add3A_229 : i32
      %lt3A_231 = arith.constant 50 : i32
      %lt3A_232 = arith.cmpi slt, %add3A_230, %lt3A_231 : i32
      %and3A_233 = arith.andi %ge3A_228, %lt3A_232 : i1
      %convert_element_type3A_234 = arith.extui %and3A_233 : i1 to i32
      %cond3A_235 = arith.constant 0 : i32
      %cond3A_236 = arith.cmpi ne, %convert_element_type3A_234, %cond3A_235 : i32
      scf.if %cond3A_236 {
        %dma_wait3A_244 = arith.constant 0 : i32
        %dma_wait3A_245 = arith.constant 0 : i32
        %dma_wait3A_246 = tpu.memref_slice %arg6[%dma_wait3A_244, %dma_wait3A_245] : memref<204800x128xf32, #tpu.memory_space<hbm>> -> memref<128x128xf32, #tpu.memory_space<hbm>>
        %dma_wait3A_247 = arith.constant 0 : i32
        %dma_wait3A_248 = arith.constant 0 : i32
        %dma_wait3A_249 = tpu.memref_slice %arg6[%dma_wait3A_247, %dma_wait3A_248] : memref<204800x128xf32, #tpu.memory_space<hbm>> -> memref<128x128xf32, #tpu.memory_space<hbm>>
        tpu.wait_dma2 semaphore(%arg19 : memref<!tpu.dma_semaphore, #tpu.memory_space<semaphore_mem>>) src(%arg10 : memref<128x128xf32, #tpu.memory_space<vmem>>) dst(%dma_wait3A_249 : memref<128x128xf32, #tpu.memory_space<hbm>>)
      } else {
      }
      %add3A_237 = arith.constant 2 : i32
      %add3A_238 = arith.addi %add3A_199, %add3A_237 : i32
      %lt3A_239 = arith.constant 50 : i32
      %lt3A_240 = arith.cmpi slt, %add3A_238, %lt3A_239 : i32
      %convert_element_type3A_241 = arith.extui %lt3A_240 : i1 to i32
      %cond3A_242 = arith.constant 0 : i32
      %cond3A_243 = arith.cmpi ne, %convert_element_type3A_241, %cond3A_242 : i32
      scf.if %cond3A_243 {
        %add3A_244 = arith.constant 2 : i32
        %add3A_245 = arith.addi %add3A_199, %add3A_244 : i32
        %dma_start3A_246 = arith.constant 0 : i32
        %dma_start3A_247 = tpu.memref_slice %arg7[%add3A_245, %dma_start3A_246] : memref<50x128xi32, #tpu.memory_space<vmem>> -> memref<1x128xi32, #tpu.memory_space<vmem>>
        %dma_start3A_248 = tpu.memref_squeeze %dma_start3A_247 : memref<1x128xi32, #tpu.memory_space<vmem>> -> memref<128xi32, #tpu.memory_space<vmem>>
        %dma_start3A_249 = arith.constant 0 : i32
        %dma_start3A_250 = arith.constant 0 : i32
        %dma_start3A_251 = tpu.memref_slice %arg4[%dma_start3A_249, %dma_start3A_250] : memref<100000x128xf32, #tpu.memory_space<hbm>> -> memref<100000x128xf32, #tpu.memory_space<hbm>>
        tpu.enqueue_indirect_dma source(%dma_start3A_251 : memref<100000x128xf32, #tpu.memory_space<hbm>>) target(%arg10 : memref<128x128xf32, #tpu.memory_space<vmem>>) offsets(%dma_start3A_248 : memref<128xi32, #tpu.memory_space<vmem>>) semaphore(%arg16 : memref<!tpu.dma_semaphore, #tpu.memory_space<semaphore_mem>>)
        %dma_start3A_252 = arith.constant 0 : i32
        %dma_start3A_253 = tpu.memref_slice %arg8[%add3A_245, %dma_start3A_252] : memref<50x128xi32, #tpu.memory_space<vmem>> -> memref<1x128xi32, #tpu.memory_space<vmem>>
        %dma_start3A_254 = tpu.memref_squeeze %dma_start3A_253 : memref<1x128xi32, #tpu.memory_space<vmem>> -> memref<128xi32, #tpu.memory_space<vmem>>
        %dma_start3A_255 = arith.constant 0 : i32
        %dma_start3A_256 = arith.constant 0 : i32
        %dma_start3A_257 = tpu.memref_slice %arg5[%dma_start3A_255, %dma_start3A_256] : memref<600x128xf32, #tpu.memory_space<hbm>> -> memref<600x128xf32, #tpu.memory_space<hbm>>
        tpu.enqueue_indirect_dma source(%dma_start3A_257 : memref<600x128xf32, #tpu.memory_space<hbm>>) target(%arg13 : memref<128x128xf32, #tpu.memory_space<vmem>>) offsets(%dma_start3A_254 : memref<128xi32, #tpu.memory_space<vmem>>) semaphore(%arg16 : memref<!tpu.dma_semaphore, #tpu.memory_space<semaphore_mem>>)
      } else {
      }
    }
    %scan3A_34 = arith.constant 16 : i32
    %dma_wait3A = arith.constant 0 : i32
    %dma_wait3A_35 = arith.constant 0 : i32
    %dma_wait3A_36 = tpu.memref_slice %arg7[%dma_wait3A, %dma_wait3A_35] : memref<50x128xi32, #tpu.memory_space<vmem>> -> memref<1x128xi32, #tpu.memory_space<vmem>>
    %dma_wait3A_37 = tpu.memref_squeeze %dma_wait3A_36 : memref<1x128xi32, #tpu.memory_space<vmem>> -> memref<128xi32, #tpu.memory_space<vmem>>
    %dma_wait3A_38 = arith.constant 0 : i32
    %dma_wait3A_39 = arith.constant 0 : i32
    %dma_wait3A_40 = tpu.memref_slice %arg4[%dma_wait3A_38, %dma_wait3A_39] : memref<100000x128xf32, #tpu.memory_space<hbm>> -> memref<100000x128xf32, #tpu.memory_space<hbm>>
    tpu.wait_indirect_dma semaphore(%arg15 : memref<!tpu.dma_semaphore, #tpu.memory_space<semaphore_mem>>) src(%dma_wait3A_40 : memref<100000x128xf32, #tpu.memory_space<hbm>>) dst(%arg9 : memref<128x128xf32, #tpu.memory_space<vmem>>)
    %dma_wait3A_41 = arith.constant 0 : i32
    %dma_wait3A_42 = arith.constant 0 : i32
    %dma_wait3A_43 = tpu.memref_slice %arg8[%dma_wait3A_41, %dma_wait3A_42] : memref<50x128xi32, #tpu.memory_space<vmem>> -> memref<1x128xi32, #tpu.memory_space<vmem>>
    %dma_wait3A_44 = tpu.memref_squeeze %dma_wait3A_43 : memref<1x128xi32, #tpu.memory_space<vmem>> -> memref<128xi32, #tpu.memory_space<vmem>>
    %dma_wait3A_45 = arith.constant 0 : i32
    %dma_wait3A_46 = arith.constant 0 : i32
    %dma_wait3A_47 = tpu.memref_slice %arg5[%dma_wait3A_45, %dma_wait3A_46] : memref<600x128xf32, #tpu.memory_space<hbm>> -> memref<600x128xf32, #tpu.memory_space<hbm>>
    tpu.wait_indirect_dma semaphore(%arg15 : memref<!tpu.dma_semaphore, #tpu.memory_space<semaphore_mem>>) src(%dma_wait3A_47 : memref<600x128xf32, #tpu.memory_space<hbm>>) dst(%arg12 : memref<128x128xf32, #tpu.memory_space<vmem>>)
    %scan3A_48 = arith.constant 0 : i32
    %scan3A_49 = arith.constant 0 : i32
    %scan3A_50 = arith.constant 64 : i32
    %scan3A_51 = arith.addi %scan3A_49, %scan3A_50 : i32
    %scan3A_52 = arith.constant 1 : i32
    scf.for %scan3A_104 = %scan3A_49 to %scan3A_51 step %scan3A_52  : i32 {
      %mul3A_105 = arith.constant 2 : i32
      %mul3A_106 = arith.muli %mul3A_105, %scan3A_104 : i32
      %add3A_107 = arith.constant 0 : i32
      %add3A_108 = arith.addi %mul3A_106, %add3A_107 : i32
      %get3A = arith.index_cast %add3A_108 : i32 to index
      %get3A_109 = arith.constant 0 : index
      %get3A_110 = tpu.vector_load %arg12[%get3A, %get3A_109] {strides = array<i32>} : memref<128x128xf32, #tpu.memory_space<vmem>>, vector<1x16xf32>,
      %get3A_111 = vector.shape_cast %get3A_110 : vector<1x16xf32> to vector<16xf32>
      %swap3A = arith.index_cast %add3A_108 : i32 to index
      %swap3A_112 = arith.constant 0 : index
      %swap3A_113 = tpu.vector_load %arg9[%swap3A, %swap3A_112] {strides = array<i32>} : memref<128x128xf32, #tpu.memory_space<vmem>>, vector<1x16xf32>,
      %swap3A_114 = vector.shape_cast %swap3A_113 : vector<1x16xf32> to vector<16xf32>
      %swap3A_115 = vector.shape_cast %get3A_111 : vector<16xf32> to vector<1x16xf32>
      tpu.vector_store %arg9[%swap3A, %swap3A_112], %swap3A_115 {add = true, strides = array<i32>} : memref<128x128xf32, #tpu.memory_space<vmem>>, vector<1x16xf32>,
      %get3A_116 = arith.index_cast %add3A_108 : i32 to index
      %get3A_117 = arith.constant 16 : index
      %get3A_118 = tpu.vector_load %arg12[%get3A_116, %get3A_117] {strides = array<i32>} : memref<128x128xf32, #tpu.memory_space<vmem>>, vector<1x16xf32>,
      %get3A_119 = vector.shape_cast %get3A_118 : vector<1x16xf32> to vector<16xf32>
      %swap3A_120 = arith.index_cast %add3A_108 : i32 to index
      %swap3A_121 = arith.constant 16 : index
      %swap3A_122 = tpu.vector_load %arg9[%swap3A_120, %swap3A_121] {strides = array<i32>} : memref<128x128xf32, #tpu.memory_space<vmem>>, vector<1x16xf32>,
      %swap3A_123 = vector.shape_cast %swap3A_122 : vector<1x16xf32> to vector<16xf32>
      %swap3A_124 = vector.shape_cast %get3A_119 : vector<16xf32> to vector<1x16xf32>
      tpu.vector_store %arg9[%swap3A_120, %swap3A_121], %swap3A_124 {add = true, strides = array<i32>} : memref<128x128xf32, #tpu.memory_space<vmem>>, vector<1x16xf32>,
      %get3A_125 = arith.index_cast %add3A_108 : i32 to index
      %get3A_126 = arith.constant 32 : index
      %get3A_127 = tpu.vector_load %arg12[%get3A_125, %get3A_126] {strides = array<i32>} : memref<128x128xf32, #tpu.memory_space<vmem>>, vector<1x16xf32>,
      %get3A_128 = vector.shape_cast %get3A_127 : vector<1x16xf32> to vector<16xf32>
      %swap3A_129 = arith.index_cast %add3A_108 : i32 to index
      %swap3A_130 = arith.constant 32 : index
      %swap3A_131 = tpu.vector_load %arg9[%swap3A_129, %swap3A_130] {strides = array<i32>} : memref<128x128xf32, #tpu.memory_space<vmem>>, vector<1x16xf32>,
      %swap3A_132 = vector.shape_cast %swap3A_131 : vector<1x16xf32> to vector<16xf32>
      %swap3A_133 = vector.shape_cast %get3A_128 : vector<16xf32> to vector<1x16xf32>
      tpu.vector_store %arg9[%swap3A_129, %swap3A_130], %swap3A_133 {add = true, strides = array<i32>} : memref<128x128xf32, #tpu.memory_space<vmem>>, vector<1x16xf32>,
      %get3A_134 = arith.index_cast %add3A_108 : i32 to index
      %get3A_135 = arith.constant 48 : index
      %get3A_136 = tpu.vector_load %arg12[%get3A_134, %get3A_135] {strides = array<i32>} : memref<128x128xf32, #tpu.memory_space<vmem>>, vector<1x16xf32>,
      %get3A_137 = vector.shape_cast %get3A_136 : vector<1x16xf32> to vector<16xf32>
      %swap3A_138 = arith.index_cast %add3A_108 : i32 to index
      %swap3A_139 = arith.constant 48 : index
      %swap3A_140 = tpu.vector_load %arg9[%swap3A_138, %swap3A_139] {strides = array<i32>} : memref<128x128xf32, #tpu.memory_space<vmem>>, vector<1x16xf32>,
      %swap3A_141 = vector.shape_cast %swap3A_140 : vector<1x16xf32> to vector<16xf32>
      %swap3A_142 = vector.shape_cast %get3A_137 : vector<16xf32> to vector<1x16xf32>
      tpu.vector_store %arg9[%swap3A_138, %swap3A_139], %swap3A_142 {add = true, strides = array<i32>} : memref<128x128xf32, #tpu.memory_space<vmem>>, vector<1x16xf32>,
      %get3A_143 = arith.index_cast %add3A_108 : i32 to index
      %get3A_144 = arith.constant 64 : index
      %get3A_145 = tpu.vector_load %arg12[%get3A_143, %get3A_144] {strides = array<i32>} : memref<128x128xf32, #tpu.memory_space<vmem>>, vector<1x16xf32>,
      %get3A_146 = vector.shape_cast %get3A_145 : vector<1x16xf32> to vector<16xf32>
      %swap3A_147 = arith.index_cast %add3A_108 : i32 to index
      %swap3A_148 = arith.constant 64 : index
      %swap3A_149 = tpu.vector_load %arg9[%swap3A_147, %swap3A_148] {strides = array<i32>} : memref<128x128xf32, #tpu.memory_space<vmem>>, vector<1x16xf32>,
      %swap3A_150 = vector.shape_cast %swap3A_149 : vector<1x16xf32> to vector<16xf32>
      %swap3A_151 = vector.shape_cast %get3A_146 : vector<16xf32> to vector<1x16xf32>
      tpu.vector_store %arg9[%swap3A_147, %swap3A_148], %swap3A_151 {add = true, strides = array<i32>} : memref<128x128xf32, #tpu.memory_space<vmem>>, vector<1x16xf32>,
      %get3A_152 = arith.index_cast %add3A_108 : i32 to index
      %get3A_153 = arith.constant 80 : index
      %get3A_154 = tpu.vector_load %arg12[%get3A_152, %get3A_153] {strides = array<i32>} : memref<128x128xf32, #tpu.memory_space<vmem>>, vector<1x16xf32>,
      %get3A_155 = vector.shape_cast %get3A_154 : vector<1x16xf32> to vector<16xf32>
      %swap3A_156 = arith.index_cast %add3A_108 : i32 to index
      %swap3A_157 = arith.constant 80 : index
      %swap3A_158 = tpu.vector_load %arg9[%swap3A_156, %swap3A_157] {strides = array<i32>} : memref<128x128xf32, #tpu.memory_space<vmem>>, vector<1x16xf32>,
      %swap3A_159 = vector.shape_cast %swap3A_158 : vector<1x16xf32> to vector<16xf32>
      %swap3A_160 = vector.shape_cast %get3A_155 : vector<16xf32> to vector<1x16xf32>
      tpu.vector_store %arg9[%swap3A_156, %swap3A_157], %swap3A_160 {add = true, strides = array<i32>} : memref<128x128xf32, #tpu.memory_space<vmem>>, vector<1x16xf32>,
      %get3A_161 = arith.index_cast %add3A_108 : i32 to index
      %get3A_162 = arith.constant 96 : index
      %get3A_163 = tpu.vector_load %arg12[%get3A_161, %get3A_162] {strides = array<i32>} : memref<128x128xf32, #tpu.memory_space<vmem>>, vector<1x16xf32>,
      %get3A_164 = vector.shape_cast %get3A_163 : vector<1x16xf32> to vector<16xf32>
      %swap3A_165 = arith.index_cast %add3A_108 : i32 to index
      %swap3A_166 = arith.constant 96 : index
      %swap3A_167 = tpu.vector_load %arg9[%swap3A_165, %swap3A_166] {strides = array<i32>} : memref<128x128xf32, #tpu.memory_space<vmem>>, vector<1x16xf32>,
      %swap3A_168 = vector.shape_cast %swap3A_167 : vector<1x16xf32> to vector<16xf32>
      %swap3A_169 = vector.shape_cast %get3A_164 : vector<16xf32> to vector<1x16xf32>
      tpu.vector_store %arg9[%swap3A_165, %swap3A_166], %swap3A_169 {add = true, strides = array<i32>} : memref<128x128xf32, #tpu.memory_space<vmem>>, vector<1x16xf32>,
      %get3A_170 = arith.index_cast %add3A_108 : i32 to index
      %get3A_171 = arith.constant 112 : index
      %get3A_172 = tpu.vector_load %arg12[%get3A_170, %get3A_171] {strides = array<i32>} : memref<128x128xf32, #tpu.memory_space<vmem>>, vector<1x16xf32>,
      %get3A_173 = vector.shape_cast %get3A_172 : vector<1x16xf32> to vector<16xf32>
      %swap3A_174 = arith.index_cast %add3A_108 : i32 to index
      %swap3A_175 = arith.constant 112 : index
      %swap3A_176 = tpu.vector_load %arg9[%swap3A_174, %swap3A_175] {strides = array<i32>} : memref<128x128xf32, #tpu.memory_space<vmem>>, vector<1x16xf32>,
      %swap3A_177 = vector.shape_cast %swap3A_176 : vector<1x16xf32> to vector<16xf32>
      %swap3A_178 = vector.shape_cast %get3A_173 : vector<16xf32> to vector<1x16xf32>
      tpu.vector_store %arg9[%swap3A_174, %swap3A_175], %swap3A_178 {add = true, strides = array<i32>} : memref<128x128xf32, #tpu.memory_space<vmem>>, vector<1x16xf32>,
      %mul3A_179 = arith.constant 2 : i32
      %mul3A_180 = arith.muli %mul3A_179, %scan3A_104 : i32
      %add3A_181 = arith.constant 1 : i32
      %add3A_182 = arith.addi %mul3A_180, %add3A_181 : i32
      %get3A_183 = arith.index_cast %add3A_182 : i32 to index
      %get3A_184 = arith.constant 0 : index
      %get3A_185 = tpu.vector_load %arg12[%get3A_183, %get3A_184] {strides = array<i32>} : memref<128x128xf32, #tpu.memory_space<vmem>>, vector<1x16xf32>,
      %get3A_186 = vector.shape_cast %get3A_185 : vector<1x16xf32> to vector<16xf32>
      %swap3A_187 = arith.index_cast %add3A_182 : i32 to index
      %swap3A_188 = arith.constant 0 : index
      %swap3A_189 = tpu.vector_load %arg9[%swap3A_187, %swap3A_188] {strides = array<i32>} : memref<128x128xf32, #tpu.memory_space<vmem>>, vector<1x16xf32>,
      %swap3A_190 = vector.shape_cast %swap3A_189 : vector<1x16xf32> to vector<16xf32>
      %swap3A_191 = vector.shape_cast %get3A_186 : vector<16xf32> to vector<1x16xf32>
      tpu.vector_store %arg9[%swap3A_187, %swap3A_188], %swap3A_191 {add = true, strides = array<i32>} : memref<128x128xf32, #tpu.memory_space<vmem>>, vector<1x16xf32>,
      %get3A_192 = arith.index_cast %add3A_182 : i32 to index
      %get3A_193 = arith.constant 16 : index
      %get3A_194 = tpu.vector_load %arg12[%get3A_192, %get3A_193] {strides = array<i32>} : memref<128x128xf32, #tpu.memory_space<vmem>>, vector<1x16xf32>,
      %get3A_195 = vector.shape_cast %get3A_194 : vector<1x16xf32> to vector<16xf32>
      %swap3A_196 = arith.index_cast %add3A_182 : i32 to index
      %swap3A_197 = arith.constant 16 : index
      %swap3A_198 = tpu.vector_load %arg9[%swap3A_196, %swap3A_197] {strides = array<i32>} : memref<128x128xf32, #tpu.memory_space<vmem>>, vector<1x16xf32>,
      %swap3A_199 = vector.shape_cast %swap3A_198 : vector<1x16xf32> to vector<16xf32>
      %swap3A_200 = vector.shape_cast %get3A_195 : vector<16xf32> to vector<1x16xf32>
      tpu.vector_store %arg9[%swap3A_196, %swap3A_197], %swap3A_200 {add = true, strides = array<i32>} : memref<128x128xf32, #tpu.memory_space<vmem>>, vector<1x16xf32>,
      %get3A_201 = arith.index_cast %add3A_182 : i32 to index
      %get3A_202 = arith.constant 32 : index
      %get3A_203 = tpu.vector_load %arg12[%get3A_201, %get3A_202] {strides = array<i32>} : memref<128x128xf32, #tpu.memory_space<vmem>>, vector<1x16xf32>,
      %get3A_204 = vector.shape_cast %get3A_203 : vector<1x16xf32> to vector<16xf32>
      %swap3A_205 = arith.index_cast %add3A_182 : i32 to index
      %swap3A_206 = arith.constant 32 : index
      %swap3A_207 = tpu.vector_load %arg9[%swap3A_205, %swap3A_206] {strides = array<i32>} : memref<128x128xf32, #tpu.memory_space<vmem>>, vector<1x16xf32>,
      %swap3A_208 = vector.shape_cast %swap3A_207 : vector<1x16xf32> to vector<16xf32>
      %swap3A_209 = vector.shape_cast %get3A_204 : vector<16xf32> to vector<1x16xf32>
      tpu.vector_store %arg9[%swap3A_205, %swap3A_206], %swap3A_209 {add = true, strides = array<i32>} : memref<128x128xf32, #tpu.memory_space<vmem>>, vector<1x16xf32>,
      %get3A_210 = arith.index_cast %add3A_182 : i32 to index
      %get3A_211 = arith.constant 48 : index
      %get3A_212 = tpu.vector_load %arg12[%get3A_210, %get3A_211] {strides = array<i32>} : memref<128x128xf32, #tpu.memory_space<vmem>>, vector<1x16xf32>,
      %get3A_213 = vector.shape_cast %get3A_212 : vector<1x16xf32> to vector<16xf32>
      %swap3A_214 = arith.index_cast %add3A_182 : i32 to index
      %swap3A_215 = arith.constant 48 : index
      %swap3A_216 = tpu.vector_load %arg9[%swap3A_214, %swap3A_215] {strides = array<i32>} : memref<128x128xf32, #tpu.memory_space<vmem>>, vector<1x16xf32>,
      %swap3A_217 = vector.shape_cast %swap3A_216 : vector<1x16xf32> to vector<16xf32>
      %swap3A_218 = vector.shape_cast %get3A_213 : vector<16xf32> to vector<1x16xf32>
      tpu.vector_store %arg9[%swap3A_214, %swap3A_215], %swap3A_218 {add = true, strides = array<i32>} : memref<128x128xf32, #tpu.memory_space<vmem>>, vector<1x16xf32>,
      %get3A_219 = arith.index_cast %add3A_182 : i32 to index
      %get3A_220 = arith.constant 64 : index
      %get3A_221 = tpu.vector_load %arg12[%get3A_219, %get3A_220] {strides = array<i32>} : memref<128x128xf32, #tpu.memory_space<vmem>>, vector<1x16xf32>,
      %get3A_222 = vector.shape_cast %get3A_221 : vector<1x16xf32> to vector<16xf32>
      %swap3A_223 = arith.index_cast %add3A_182 : i32 to index
      %swap3A_224 = arith.constant 64 : index
      %swap3A_225 = tpu.vector_load %arg9[%swap3A_223, %swap3A_224] {strides = array<i32>} : memref<128x128xf32, #tpu.memory_space<vmem>>, vector<1x16xf32>,
      %swap3A_226 = vector.shape_cast %swap3A_225 : vector<1x16xf32> to vector<16xf32>
      %swap3A_227 = vector.shape_cast %get3A_222 : vector<16xf32> to vector<1x16xf32>
      tpu.vector_store %arg9[%swap3A_223, %swap3A_224], %swap3A_227 {add = true, strides = array<i32>} : memref<128x128xf32, #tpu.memory_space<vmem>>, vector<1x16xf32>,
      %get3A_228 = arith.index_cast %add3A_182 : i32 to index
      %get3A_229 = arith.constant 80 : index
      %get3A_230 = tpu.vector_load %arg12[%get3A_228, %get3A_229] {strides = array<i32>} : memref<128x128xf32, #tpu.memory_space<vmem>>, vector<1x16xf32>,
      %get3A_231 = vector.shape_cast %get3A_230 : vector<1x16xf32> to vector<16xf32>
      %swap3A_232 = arith.index_cast %add3A_182 : i32 to index
      %swap3A_233 = arith.constant 80 : index
      %swap3A_234 = tpu.vector_load %arg9[%swap3A_232, %swap3A_233] {strides = array<i32>} : memref<128x128xf32, #tpu.memory_space<vmem>>, vector<1x16xf32>,
      %swap3A_235 = vector.shape_cast %swap3A_234 : vector<1x16xf32> to vector<16xf32>
      %swap3A_236 = vector.shape_cast %get3A_231 : vector<16xf32> to vector<1x16xf32>
      tpu.vector_store %arg9[%swap3A_232, %swap3A_233], %swap3A_236 {add = true, strides = array<i32>} : memref<128x128xf32, #tpu.memory_space<vmem>>, vector<1x16xf32>,
      %get3A_237 = arith.index_cast %add3A_182 : i32 to index
      %get3A_238 = arith.constant 96 : index
      %get3A_239 = tpu.vector_load %arg12[%get3A_237, %get3A_238] {strides = array<i32>} : memref<128x128xf32, #tpu.memory_space<vmem>>, vector<1x16xf32>,
      %get3A_240 = vector.shape_cast %get3A_239 : vector<1x16xf32> to vector<16xf32>
      %swap3A_241 = arith.index_cast %add3A_182 : i32 to index
      %swap3A_242 = arith.constant 96 : index
      %swap3A_243 = tpu.vector_load %arg9[%swap3A_241, %swap3A_242] {strides = array<i32>} : memref<128x128xf32, #tpu.memory_space<vmem>>, vector<1x16xf32>,
      %swap3A_244 = vector.shape_cast %swap3A_243 : vector<1x16xf32> to vector<16xf32>
      %swap3A_245 = vector.shape_cast %get3A_240 : vector<16xf32> to vector<1x16xf32>
      tpu.vector_store %arg9[%swap3A_241, %swap3A_242], %swap3A_245 {add = true, strides = array<i32>} : memref<128x128xf32, #tpu.memory_space<vmem>>, vector<1x16xf32>,
      %get3A_246 = arith.index_cast %add3A_182 : i32 to index
      %get3A_247 = arith.constant 112 : index
      %get3A_248 = tpu.vector_load %arg12[%get3A_246, %get3A_247] {strides = array<i32>} : memref<128x128xf32, #tpu.memory_space<vmem>>, vector<1x16xf32>,
      %get3A_249 = vector.shape_cast %get3A_248 : vector<1x16xf32> to vector<16xf32>
      %swap3A_250 = arith.index_cast %add3A_182 : i32 to index
      %swap3A_251 = arith.constant 112 : index
      %swap3A_252 = tpu.vector_load %arg9[%swap3A_250, %swap3A_251] {strides = array<i32>} : memref<128x128xf32, #tpu.memory_space<vmem>>, vector<1x16xf32>,
      %swap3A_253 = vector.shape_cast %swap3A_252 : vector<1x16xf32> to vector<16xf32>
      %swap3A_254 = vector.shape_cast %get3A_249 : vector<16xf32> to vector<1x16xf32>
      tpu.vector_store %arg9[%swap3A_250, %swap3A_251], %swap3A_254 {add = true, strides = array<i32>} : memref<128x128xf32, #tpu.memory_space<vmem>>, vector<1x16xf32>,
    }
    %scan3A_53 = arith.constant 64 : i32
    %add3A_54 = arith.constant 6144 : i32
    %add3A_55 = arith.addi %mul3A_2, %add3A_54 : i32
    %dma_start3A_56 = arith.constant 0 : i32
    %dma_start3A_57 = tpu.memref_slice %arg6[%add3A_55, %dma_start3A_56] : memref<204800x128xf32, #tpu.memory_space<hbm>> -> memref<128x128xf32, #tpu.memory_space<hbm>>
    %dma_start3A_58 = arith.constant 0 : i32
    %dma_start3A_59 = tpu.memref_slice %arg6[%add3A_55, %dma_start3A_58] : memref<204800x128xf32, #tpu.memory_space<hbm>> -> memref<128x128xf32, #tpu.memory_space<hbm>>
    tpu.enqueue_dma source(%arg9 : memref<128x128xf32, #tpu.memory_space<vmem>>) target(%dma_start3A_59 : memref<128x128xf32, #tpu.memory_space<hbm>>) target_semaphore(%arg18 : memref<!tpu.dma_semaphore, #tpu.memory_space<semaphore_mem>>)
    %dma_wait3A_60 = arith.constant 0 : i32
    %dma_wait3A_61 = arith.constant 0 : i32
    %dma_wait3A_62 = tpu.memref_slice %arg7[%dma_wait3A_60, %dma_wait3A_61] : memref<50x128xi32, #tpu.memory_space<vmem>> -> memref<1x128xi32, #tpu.memory_space<vmem>>
    %dma_wait3A_63 = tpu.memref_squeeze %dma_wait3A_62 : memref<1x128xi32, #tpu.memory_space<vmem>> -> memref<128xi32, #tpu.memory_space<vmem>>
    %dma_wait3A_64 = arith.constant 0 : i32
    %dma_wait3A_65 = arith.constant 0 : i32
    %dma_wait3A_66 = tpu.memref_slice %arg4[%dma_wait3A_64, %dma_wait3A_65] : memref<100000x128xf32, #tpu.memory_space<hbm>> -> memref<100000x128xf32, #tpu.memory_space<hbm>>
    tpu.wait_indirect_dma semaphore(%arg16 : memref<!tpu.dma_semaphore, #tpu.memory_space<semaphore_mem>>) src(%dma_wait3A_66 : memref<100000x128xf32, #tpu.memory_space<hbm>>) dst(%arg10 : memref<128x128xf32, #tpu.memory_space<vmem>>)
    %dma_wait3A_67 = arith.constant 0 : i32
    %dma_wait3A_68 = arith.constant 0 : i32
    %dma_wait3A_69 = tpu.memref_slice %arg8[%dma_wait3A_67, %dma_wait3A_68] : memref<50x128xi32, #tpu.memory_space<vmem>> -> memref<1x128xi32, #tpu.memory_space<vmem>>
    %dma_wait3A_70 = tpu.memref_squeeze %dma_wait3A_69 : memref<1x128xi32, #tpu.memory_space<vmem>> -> memref<128xi32, #tpu.memory_space<vmem>>
    %dma_wait3A_71 = arith.constant 0 : i32
    %dma_wait3A_72 = arith.constant 0 : i32
    %dma_wait3A_73 = tpu.memref_slice %arg5[%dma_wait3A_71, %dma_wait3A_72] : memref<600x128xf32, #tpu.memory_space<hbm>> -> memref<600x128xf32, #tpu.memory_space<hbm>>
    tpu.wait_indirect_dma semaphore(%arg16 : memref<!tpu.dma_semaphore, #tpu.memory_space<semaphore_mem>>) src(%dma_wait3A_73 : memref<600x128xf32, #tpu.memory_space<hbm>>) dst(%arg13 : memref<128x128xf32, #tpu.memory_space<vmem>>)
    %scan3A_74 = arith.constant 0 : i32
    %scan3A_75 = arith.constant 0 : i32
    %scan3A_76 = arith.constant 64 : i32
    %scan3A_77 = arith.addi %scan3A_75, %scan3A_76 : i32
    %scan3A_78 = arith.constant 1 : i32
    scf.for %scan3A_104 = %scan3A_75 to %scan3A_77 step %scan3A_78  : i32 {
      %mul3A_105 = arith.constant 2 : i32
      %mul3A_106 = arith.muli %mul3A_105, %scan3A_104 : i32
      %add3A_107 = arith.constant 0 : i32
      %add3A_108 = arith.addi %mul3A_106, %add3A_107 : i32
      %get3A = arith.index_cast %add3A_108 : i32 to index
      %get3A_109 = arith.constant 0 : index
      %get3A_110 = tpu.vector_load %arg13[%get3A, %get3A_109] {strides = array<i32>} : memref<128x128xf32, #tpu.memory_space<vmem>>, vector<1x16xf32>,
      %get3A_111 = vector.shape_cast %get3A_110 : vector<1x16xf32> to vector<16xf32>
      %swap3A = arith.index_cast %add3A_108 : i32 to index
      %swap3A_112 = arith.constant 0 : index
      %swap3A_113 = tpu.vector_load %arg10[%swap3A, %swap3A_112] {strides = array<i32>} : memref<128x128xf32, #tpu.memory_space<vmem>>, vector<1x16xf32>,
      %swap3A_114 = vector.shape_cast %swap3A_113 : vector<1x16xf32> to vector<16xf32>
      %swap3A_115 = vector.shape_cast %get3A_111 : vector<16xf32> to vector<1x16xf32>
      tpu.vector_store %arg10[%swap3A, %swap3A_112], %swap3A_115 {add = true, strides = array<i32>} : memref<128x128xf32, #tpu.memory_space<vmem>>, vector<1x16xf32>,
      %get3A_116 = arith.index_cast %add3A_108 : i32 to index
      %get3A_117 = arith.constant 16 : index
      %get3A_118 = tpu.vector_load %arg13[%get3A_116, %get3A_117] {strides = array<i32>} : memref<128x128xf32, #tpu.memory_space<vmem>>, vector<1x16xf32>,
      %get3A_119 = vector.shape_cast %get3A_118 : vector<1x16xf32> to vector<16xf32>
      %swap3A_120 = arith.index_cast %add3A_108 : i32 to index
      %swap3A_121 = arith.constant 16 : index
      %swap3A_122 = tpu.vector_load %arg10[%swap3A_120, %swap3A_121] {strides = array<i32>} : memref<128x128xf32, #tpu.memory_space<vmem>>, vector<1x16xf32>,
      %swap3A_123 = vector.shape_cast %swap3A_122 : vector<1x16xf32> to vector<16xf32>
      %swap3A_124 = vector.shape_cast %get3A_119 : vector<16xf32> to vector<1x16xf32>
      tpu.vector_store %arg10[%swap3A_120, %swap3A_121], %swap3A_124 {add = true, strides = array<i32>} : memref<128x128xf32, #tpu.memory_space<vmem>>, vector<1x16xf32>,
      %get3A_125 = arith.index_cast %add3A_108 : i32 to index
      %get3A_126 = arith.constant 32 : index
      %get3A_127 = tpu.vector_load %arg13[%get3A_125, %get3A_126] {strides = array<i32>} : memref<128x128xf32, #tpu.memory_space<vmem>>, vector<1x16xf32>,
      %get3A_128 = vector.shape_cast %get3A_127 : vector<1x16xf32> to vector<16xf32>
      %swap3A_129 = arith.index_cast %add3A_108 : i32 to index
      %swap3A_130 = arith.constant 32 : index
      %swap3A_131 = tpu.vector_load %arg10[%swap3A_129, %swap3A_130] {strides = array<i32>} : memref<128x128xf32, #tpu.memory_space<vmem>>, vector<1x16xf32>,
      %swap3A_132 = vector.shape_cast %swap3A_131 : vector<1x16xf32> to vector<16xf32>
      %swap3A_133 = vector.shape_cast %get3A_128 : vector<16xf32> to vector<1x16xf32>
      tpu.vector_store %arg10[%swap3A_129, %swap3A_130], %swap3A_133 {add = true, strides = array<i32>} : memref<128x128xf32, #tpu.memory_space<vmem>>, vector<1x16xf32>,
      %get3A_134 = arith.index_cast %add3A_108 : i32 to index
      %get3A_135 = arith.constant 48 : index
      %get3A_136 = tpu.vector_load %arg13[%get3A_134, %get3A_135] {strides = array<i32>} : memref<128x128xf32, #tpu.memory_space<vmem>>, vector<1x16xf32>,
      %get3A_137 = vector.shape_cast %get3A_136 : vector<1x16xf32> to vector<16xf32>
      %swap3A_138 = arith.index_cast %add3A_108 : i32 to index
      %swap3A_139 = arith.constant 48 : index
      %swap3A_140 = tpu.vector_load %arg10[%swap3A_138, %swap3A_139] {strides = array<i32>} : memref<128x128xf32, #tpu.memory_space<vmem>>, vector<1x16xf32>,
      %swap3A_141 = vector.shape_cast %swap3A_140 : vector<1x16xf32> to vector<16xf32>
      %swap3A_142 = vector.shape_cast %get3A_137 : vector<16xf32> to vector<1x16xf32>
      tpu.vector_store %arg10[%swap3A_138, %swap3A_139], %swap3A_142 {add = true, strides = array<i32>} : memref<128x128xf32, #tpu.memory_space<vmem>>, vector<1x16xf32>,
      %get3A_143 = arith.index_cast %add3A_108 : i32 to index
      %get3A_144 = arith.constant 64 : index
      %get3A_145 = tpu.vector_load %arg13[%get3A_143, %get3A_144] {strides = array<i32>} : memref<128x128xf32, #tpu.memory_space<vmem>>, vector<1x16xf32>,
      %get3A_146 = vector.shape_cast %get3A_145 : vector<1x16xf32> to vector<16xf32>
      %swap3A_147 = arith.index_cast %add3A_108 : i32 to index
      %swap3A_148 = arith.constant 64 : index
      %swap3A_149 = tpu.vector_load %arg10[%swap3A_147, %swap3A_148] {strides = array<i32>} : memref<128x128xf32, #tpu.memory_space<vmem>>, vector<1x16xf32>,
      %swap3A_150 = vector.shape_cast %swap3A_149 : vector<1x16xf32> to vector<16xf32>
      %swap3A_151 = vector.shape_cast %get3A_146 : vector<16xf32> to vector<1x16xf32>
      tpu.vector_store %arg10[%swap3A_147, %swap3A_148], %swap3A_151 {add = true, strides = array<i32>} : memref<128x128xf32, #tpu.memory_space<vmem>>, vector<1x16xf32>,
      %get3A_152 = arith.index_cast %add3A_108 : i32 to index
      %get3A_153 = arith.constant 80 : index
      %get3A_154 = tpu.vector_load %arg13[%get3A_152, %get3A_153] {strides = array<i32>} : memref<128x128xf32, #tpu.memory_space<vmem>>, vector<1x16xf32>,
      %get3A_155 = vector.shape_cast %get3A_154 : vector<1x16xf32> to vector<16xf32>
      %swap3A_156 = arith.index_cast %add3A_108 : i32 to index
      %swap3A_157 = arith.constant 80 : index
      %swap3A_158 = tpu.vector_load %arg10[%swap3A_156, %swap3A_157] {strides = array<i32>} : memref<128x128xf32, #tpu.memory_space<vmem>>, vector<1x16xf32>,
      %swap3A_159 = vector.shape_cast %swap3A_158 : vector<1x16xf32> to vector<16xf32>
      %swap3A_160 = vector.shape_cast %get3A_155 : vector<16xf32> to vector<1x16xf32>
      tpu.vector_store %arg10[%swap3A_156, %swap3A_157], %swap3A_160 {add = true, strides = array<i32>} : memref<128x128xf32, #tpu.memory_space<vmem>>, vector<1x16xf32>,
      %get3A_161 = arith.index_cast %add3A_108 : i32 to index
      %get3A_162 = arith.constant 96 : index
      %get3A_163 = tpu.vector_load %arg13[%get3A_161, %get3A_162] {strides = array<i32>} : memref<128x128xf32, #tpu.memory_space<vmem>>, vector<1x16xf32>,
      %get3A_164 = vector.shape_cast %get3A_163 : vector<1x16xf32> to vector<16xf32>
      %swap3A_165 = arith.index_cast %add3A_108 : i32 to index
      %swap3A_166 = arith.constant 96 : index
      %swap3A_167 = tpu.vector_load %arg10[%swap3A_165, %swap3A_166] {strides = array<i32>} : memref<128x128xf32, #tpu.memory_space<vmem>>, vector<1x16xf32>,
      %swap3A_168 = vector.shape_cast %swap3A_167 : vector<1x16xf32> to vector<16xf32>
      %swap3A_169 = vector.shape_cast %get3A_164 : vector<16xf32> to vector<1x16xf32>
      tpu.vector_store %arg10[%swap3A_165, %swap3A_166], %swap3A_169 {add = true, strides = array<i32>} : memref<128x128xf32, #tpu.memory_space<vmem>>, vector<1x16xf32>,
      %get3A_170 = arith.index_cast %add3A_108 : i32 to index
      %get3A_171 = arith.constant 112 : index
      %get3A_172 = tpu.vector_load %arg13[%get3A_170, %get3A_171] {strides = array<i32>} : memref<128x128xf32, #tpu.memory_space<vmem>>, vector<1x16xf32>,
      %get3A_173 = vector.shape_cast %get3A_172 : vector<1x16xf32> to vector<16xf32>
      %swap3A_174 = arith.index_cast %add3A_108 : i32 to index
      %swap3A_175 = arith.constant 112 : index
      %swap3A_176 = tpu.vector_load %arg10[%swap3A_174, %swap3A_175] {strides = array<i32>} : memref<128x128xf32, #tpu.memory_space<vmem>>, vector<1x16xf32>,
      %swap3A_177 = vector.shape_cast %swap3A_176 : vector<1x16xf32> to vector<16xf32>
      %swap3A_178 = vector.shape_cast %get3A_173 : vector<16xf32> to vector<1x16xf32>
      tpu.vector_store %arg10[%swap3A_174, %swap3A_175], %swap3A_178 {add = true, strides = array<i32>} : memref<128x128xf32, #tpu.memory_space<vmem>>, vector<1x16xf32>,
      %mul3A_179 = arith.constant 2 : i32
      %mul3A_180 = arith.muli %mul3A_179, %scan3A_104 : i32
      %add3A_181 = arith.constant 1 : i32
      %add3A_182 = arith.addi %mul3A_180, %add3A_181 : i32
      %get3A_183 = arith.index_cast %add3A_182 : i32 to index
      %get3A_184 = arith.constant 0 : index
      %get3A_185 = tpu.vector_load %arg13[%get3A_183, %get3A_184] {strides = array<i32>} : memref<128x128xf32, #tpu.memory_space<vmem>>, vector<1x16xf32>,
      %get3A_186 = vector.shape_cast %get3A_185 : vector<1x16xf32> to vector<16xf32>
      %swap3A_187 = arith.index_cast %add3A_182 : i32 to index
      %swap3A_188 = arith.constant 0 : index
      %swap3A_189 = tpu.vector_load %arg10[%swap3A_187, %swap3A_188] {strides = array<i32>} : memref<128x128xf32, #tpu.memory_space<vmem>>, vector<1x16xf32>,
      %swap3A_190 = vector.shape_cast %swap3A_189 : vector<1x16xf32> to vector<16xf32>
      %swap3A_191 = vector.shape_cast %get3A_186 : vector<16xf32> to vector<1x16xf32>
      tpu.vector_store %arg10[%swap3A_187, %swap3A_188], %swap3A_191 {add = true, strides = array<i32>} : memref<128x128xf32, #tpu.memory_space<vmem>>, vector<1x16xf32>,
      %get3A_192 = arith.index_cast %add3A_182 : i32 to index
      %get3A_193 = arith.constant 16 : index
      %get3A_194 = tpu.vector_load %arg13[%get3A_192, %get3A_193] {strides = array<i32>} : memref<128x128xf32, #tpu.memory_space<vmem>>, vector<1x16xf32>,
      %get3A_195 = vector.shape_cast %get3A_194 : vector<1x16xf32> to vector<16xf32>
      %swap3A_196 = arith.index_cast %add3A_182 : i32 to index
      %swap3A_197 = arith.constant 16 : index
      %swap3A_198 = tpu.vector_load %arg10[%swap3A_196, %swap3A_197] {strides = array<i32>} : memref<128x128xf32, #tpu.memory_space<vmem>>, vector<1x16xf32>,
      %swap3A_199 = vector.shape_cast %swap3A_198 : vector<1x16xf32> to vector<16xf32>
      %swap3A_200 = vector.shape_cast %get3A_195 : vector<16xf32> to vector<1x16xf32>
      tpu.vector_store %arg10[%swap3A_196, %swap3A_197], %swap3A_200 {add = true, strides = array<i32>} : memref<128x128xf32, #tpu.memory_space<vmem>>, vector<1x16xf32>,
      %get3A_201 = arith.index_cast %add3A_182 : i32 to index
      %get3A_202 = arith.constant 32 : index
      %get3A_203 = tpu.vector_load %arg13[%get3A_201, %get3A_202] {strides = array<i32>} : memref<128x128xf32, #tpu.memory_space<vmem>>, vector<1x16xf32>,
      %get3A_204 = vector.shape_cast %get3A_203 : vector<1x16xf32> to vector<16xf32>
      %swap3A_205 = arith.index_cast %add3A_182 : i32 to index
      %swap3A_206 = arith.constant 32 : index
      %swap3A_207 = tpu.vector_load %arg10[%swap3A_205, %swap3A_206] {strides = array<i32>} : memref<128x128xf32, #tpu.memory_space<vmem>>, vector<1x16xf32>,
      %swap3A_208 = vector.shape_cast %swap3A_207 : vector<1x16xf32> to vector<16xf32>
      %swap3A_209 = vector.shape_cast %get3A_204 : vector<16xf32> to vector<1x16xf32>
      tpu.vector_store %arg10[%swap3A_205, %swap3A_206], %swap3A_209 {add = true, strides = array<i32>} : memref<128x128xf32, #tpu.memory_space<vmem>>, vector<1x16xf32>,
      %get3A_210 = arith.index_cast %add3A_182 : i32 to index
      %get3A_211 = arith.constant 48 : index
      %get3A_212 = tpu.vector_load %arg13[%get3A_210, %get3A_211] {strides = array<i32>} : memref<128x128xf32, #tpu.memory_space<vmem>>, vector<1x16xf32>,
      %get3A_213 = vector.shape_cast %get3A_212 : vector<1x16xf32> to vector<16xf32>
      %swap3A_214 = arith.index_cast %add3A_182 : i32 to index
      %swap3A_215 = arith.constant 48 : index
      %swap3A_216 = tpu.vector_load %arg10[%swap3A_214, %swap3A_215] {strides = array<i32>} : memref<128x128xf32, #tpu.memory_space<vmem>>, vector<1x16xf32>,
      %swap3A_217 = vector.shape_cast %swap3A_216 : vector<1x16xf32> to vector<16xf32>
      %swap3A_218 = vector.shape_cast %get3A_213 : vector<16xf32> to vector<1x16xf32>
      tpu.vector_store %arg10[%swap3A_214, %swap3A_215], %swap3A_218 {add = true, strides = array<i32>} : memref<128x128xf32, #tpu.memory_space<vmem>>, vector<1x16xf32>,
      %get3A_219 = arith.index_cast %add3A_182 : i32 to index
      %get3A_220 = arith.constant 64 : index
      %get3A_221 = tpu.vector_load %arg13[%get3A_219, %get3A_220] {strides = array<i32>} : memref<128x128xf32, #tpu.memory_space<vmem>>, vector<1x16xf32>,
      %get3A_222 = vector.shape_cast %get3A_221 : vector<1x16xf32> to vector<16xf32>
      %swap3A_223 = arith.index_cast %add3A_182 : i32 to index
      %swap3A_224 = arith.constant 64 : index
      %swap3A_225 = tpu.vector_load %arg10[%swap3A_223, %swap3A_224] {strides = array<i32>} : memref<128x128xf32, #tpu.memory_space<vmem>>, vector<1x16xf32>,
      %swap3A_226 = vector.shape_cast %swap3A_225 : vector<1x16xf32> to vector<16xf32>
      %swap3A_227 = vector.shape_cast %get3A_222 : vector<16xf32> to vector<1x16xf32>
      tpu.vector_store %arg10[%swap3A_223, %swap3A_224], %swap3A_227 {add = true, strides = array<i32>} : memref<128x128xf32, #tpu.memory_space<vmem>>, vector<1x16xf32>,
      %get3A_228 = arith.index_cast %add3A_182 : i32 to index
      %get3A_229 = arith.constant 80 : index
      %get3A_230 = tpu.vector_load %arg13[%get3A_228, %get3A_229] {strides = array<i32>} : memref<128x128xf32, #tpu.memory_space<vmem>>, vector<1x16xf32>,
      %get3A_231 = vector.shape_cast %get3A_230 : vector<1x16xf32> to vector<16xf32>
      %swap3A_232 = arith.index_cast %add3A_182 : i32 to index
      %swap3A_233 = arith.constant 80 : index
      %swap3A_234 = tpu.vector_load %arg10[%swap3A_232, %swap3A_233] {strides = array<i32>} : memref<128x128xf32, #tpu.memory_space<vmem>>, vector<1x16xf32>,
      %swap3A_235 = vector.shape_cast %swap3A_234 : vector<1x16xf32> to vector<16xf32>
      %swap3A_236 = vector.shape_cast %get3A_231 : vector<16xf32> to vector<1x16xf32>
      tpu.vector_store %arg10[%swap3A_232, %swap3A_233], %swap3A_236 {add = true, strides = array<i32>} : memref<128x128xf32, #tpu.memory_space<vmem>>, vector<1x16xf32>,
      %get3A_237 = arith.index_cast %add3A_182 : i32 to index
      %get3A_238 = arith.constant 96 : index
      %get3A_239 = tpu.vector_load %arg13[%get3A_237, %get3A_238] {strides = array<i32>} : memref<128x128xf32, #tpu.memory_space<vmem>>, vector<1x16xf32>,
      %get3A_240 = vector.shape_cast %get3A_239 : vector<1x16xf32> to vector<16xf32>
      %swap3A_241 = arith.index_cast %add3A_182 : i32 to index
      %swap3A_242 = arith.constant 96 : index
      %swap3A_243 = tpu.vector_load %arg10[%swap3A_241, %swap3A_242] {strides = array<i32>} : memref<128x128xf32, #tpu.memory_space<vmem>>, vector<1x16xf32>,
      %swap3A_244 = vector.shape_cast %swap3A_243 : vector<1x16xf32> to vector<16xf32>
      %swap3A_245 = vector.shape_cast %get3A_240 : vector<16xf32> to vector<1x16xf32>
      tpu.vector_store %arg10[%swap3A_241, %swap3A_242], %swap3A_245 {add = true, strides = array<i32>} : memref<128x128xf32, #tpu.memory_space<vmem>>, vector<1x16xf32>,
      %get3A_246 = arith.index_cast %add3A_182 : i32 to index
      %get3A_247 = arith.constant 112 : index
      %get3A_248 = tpu.vector_load %arg13[%get3A_246, %get3A_247] {strides = array<i32>} : memref<128x128xf32, #tpu.memory_space<vmem>>, vector<1x16xf32>,
      %get3A_249 = vector.shape_cast %get3A_248 : vector<1x16xf32> to vector<16xf32>
      %swap3A_250 = arith.index_cast %add3A_182 : i32 to index
      %swap3A_251 = arith.constant 112 : index
      %swap3A_252 = tpu.vector_load %arg10[%swap3A_250, %swap3A_251] {strides = array<i32>} : memref<128x128xf32, #tpu.memory_space<vmem>>, vector<1x16xf32>,
      %swap3A_253 = vector.shape_cast %swap3A_252 : vector<1x16xf32> to vector<16xf32>
      %swap3A_254 = vector.shape_cast %get3A_249 : vector<16xf32> to vector<1x16xf32>
      tpu.vector_store %arg10[%swap3A_250, %swap3A_251], %swap3A_254 {add = true, strides = array<i32>} : memref<128x128xf32, #tpu.memory_space<vmem>>, vector<1x16xf32>,
    }
    %scan3A_79 = arith.constant 64 : i32
    %add3A_80 = arith.constant 6272 : i32
    %add3A_81 = arith.addi %mul3A_2, %add3A_80 : i32
    %dma_start3A_82 = arith.constant 0 : i32
    %dma_start3A_83 = tpu.memref_slice %arg6[%add3A_81, %dma_start3A_82] : memref<204800x128xf32, #tpu.memory_space<hbm>> -> memref<128x128xf32, #tpu.memory_space<hbm>>
    %dma_start3A_84 = arith.constant 0 : i32
    %dma_start3A_85 = tpu.memref_slice %arg6[%add3A_81, %dma_start3A_84] : memref<204800x128xf32, #tpu.memory_space<hbm>> -> memref<128x128xf32, #tpu.memory_space<hbm>>
    tpu.enqueue_dma source(%arg10 : memref<128x128xf32, #tpu.memory_space<vmem>>) target(%dma_start3A_85 : memref<128x128xf32, #tpu.memory_space<hbm>>) target_semaphore(%arg19 : memref<!tpu.dma_semaphore, #tpu.memory_space<semaphore_mem>>)
    %dma_wait3A_86 = arith.constant 0 : i32
    %dma_wait3A_87 = arith.constant 0 : i32
    %dma_wait3A_88 = tpu.memref_slice %arg6[%dma_wait3A_86, %dma_wait3A_87] : memref<204800x128xf32, #tpu.memory_space<hbm>> -> memref<128x128xf32, #tpu.memory_space<hbm>>
    %dma_wait3A_89 = arith.constant 0 : i32
    %dma_wait3A_90 = arith.constant 0 : i32
    %dma_wait3A_91 = tpu.memref_slice %arg6[%dma_wait3A_89, %dma_wait3A_90] : memref<204800x128xf32, #tpu.memory_space<hbm>> -> memref<128x128xf32, #tpu.memory_space<hbm>>
    tpu.wait_dma2 semaphore(%arg18 : memref<!tpu.dma_semaphore, #tpu.memory_space<semaphore_mem>>) src(%arg9 : memref<128x128xf32, #tpu.memory_space<vmem>>) dst(%dma_wait3A_91 : memref<128x128xf32, #tpu.memory_space<hbm>>)
    %dma_wait3A_92 = arith.constant 0 : i32
    %dma_wait3A_93 = arith.constant 0 : i32
    %dma_wait3A_94 = tpu.memref_slice %arg6[%dma_wait3A_92, %dma_wait3A_93] : memref<204800x128xf32, #tpu.memory_space<hbm>> -> memref<128x128xf32, #tpu.memory_space<hbm>>
    %dma_wait3A_95 = arith.constant 0 : i32
    %dma_wait3A_96 = arith.constant 0 : i32
    %dma_wait3A_97 = tpu.memref_slice %arg6[%dma_wait3A_95, %dma_wait3A_96] : memref<204800x128xf32, #tpu.memory_space<hbm>> -> memref<128x128xf32, #tpu.memory_space<hbm>>
    tpu.wait_dma2 semaphore(%arg19 : memref<!tpu.dma_semaphore, #tpu.memory_space<semaphore_mem>>) src(%arg10 : memref<128x128xf32, #tpu.memory_space<vmem>>) dst(%dma_wait3A_97 : memref<128x128xf32, #tpu.memory_space<hbm>>)
    %dma_wait3A_98 = arith.constant 0 : i32
    %dma_wait3A_99 = arith.constant 0 : i32
    %dma_wait3A_100 = tpu.memref_slice %arg6[%dma_wait3A_98, %dma_wait3A_99] : memref<204800x128xf32, #tpu.memory_space<hbm>> -> memref<128x128xf32, #tpu.memory_space<hbm>>
    %dma_wait3A_101 = arith.constant 0 : i32
    %dma_wait3A_102 = arith.constant 0 : i32
    %dma_wait3A_103 = tpu.memref_slice %arg6[%dma_wait3A_101, %dma_wait3A_102] : memref<204800x128xf32, #tpu.memory_space<hbm>> -> memref<128x128xf32, #tpu.memory_space<hbm>>
    tpu.wait_dma2 semaphore(%arg20 : memref<!tpu.dma_semaphore, #tpu.memory_space<semaphore_mem>>) src(%arg11 : memref<128x128xf32, #tpu.memory_space<vmem>>) dst(%dma_wait3A_103 : memref<128x128xf32, #tpu.memory_space<hbm>>)
    return
  }
}

</mosaic_0001>

<sc_bundles>
// kernel: kernel.3.cloned.1.call-start
scs
__scs_entry_jumppad:
0x0: {  	(pc) =	sbr.rel $0x88, $3  }
0x1: {  	(tag) =	ssettag $0x0;
	lr =	simm.s32 $0x1  }
0x2: {  	[smem:$0x3F9D] =	sst lr;
	_ =	strace $0xD0000000  }
0x3: {  	_ = 	snop  }
0x4: {  	_ = 	snop  }
0x5: {  	_ = 	snop  }
0x6: {  	_ = 	snop  }
0x7: {  	_ = 	snop  }
__scs_overlays_trampoline_lowered:
0x8: {  	[smem:$0x3FAC] =	sst s0  }
0x9: {  	[smem:$0x3FAD] =	sst s1  }
0xa: {  	[smem:$0x3FAE] =	sst s2  }
0xb: {  	[smem:$0x3FAF] =	sst s3  }
0xc: {  	[smem:$0x3FB0] =	sst s4  }
0xd: {  	[smem:$0x3FB1] =	sst s5  }
0xe: {  	[smem:$0x3FB2] =	sst s6  }
0xf: {  	[smem:$0x3FB3] =	sst s7  }
0x10: {  	[smem:$0x3FB4] =	sst s8  }
0x11: {  	[smem:$0x3FB5] =	sst s9;
	s0 =	simm.s32 @!p0 $0x0  }
0x12: {  	s1 =	sld [smem:$0x3F9B];
	s0 =	simm.s32 @p0 $0x1  }
0x13: {  	[smem:$0x3FB6] =	sst s0;
	s0 =	simm.s32 @!p1 $0x0  }
0x14: {  	s2 =	sld [smem:$0x3F9A];
	s0 =	simm.s32 @p1 $0x1  }
0x15: {  	[smem:$0x3FB7] =	sst s0;
	s0 =	simm.s32 @!p2 $0x0  }
0x16: {  	s3 =	sld [smem:$0x3FDB];
	s0 =	simm.s32 @p2 $0x1  }
0x17: {  	s4 =	simm.s32 $0x1BF5;
	[smem:$0x3FB9] =	sst s0  }
0x18: {  	s0 =	sld [smem:$0x3F9C];
	_ =	swait.ge [sflag:s4], $0x0  }
0x19: {  	s7 =	sld [smem:$0x3F9D]  }
0x1a: {  	s8 =	sadd.s32 $0xFFFFE003, lr  }
0x1b: {  	s9 =	sadd.s32 $0xFFFFFEF7, lr;
	s5 =	simm.s32 $0xFFFFFFFF;
	p2 =	slt.u32 s8, $0xFFFFF086  }
0x1c: {  	p1 =	slt.u32 s9, $0xF7A;
	s5 =	simm.s32 @!p2 $0x0  }
0x1d: {  	s5 =	simm.s32 @p1 $0x1;
	p0 =	seq.s32 s7, s2  }
0x1e: {  	s7 =	smul.u32 @!p0 $0xF7A, s2;
	p2 =	seq.s32 @!p0 s5, $0x0  }
0x1f: {  	s9 =	smul.u32 $0xF7A, s1;
	s8 =	simm.s32 @!p0 $0x1BF5;
	p2 =	por !p2, p0  }
0x20: {  	[sflag:s8] =	ssyncset.s32 @!p0 $0xFFFFF086;
	s6 =	sadd.s32 @!p0 s3, s7;
	s7 =	simm.s32 @!p0 $0x108  }
0x21: {  	s3 =	sadd.s32 s3, s9;
	s6 =	sadd.s32 @!p0 $0x88, s6;
	s7 =	simm.s32 @p2 $0x1082  }
0x22: {  	[simem:s7], [sflag:s8] =	dma.local @!p0 [hbm:s6], $0xF7A  }
0x23: {  	s9 =	sor.u32 $0xD0000000, s2;
	s6 =	simm.s32 $0x108;
	_ =	swait.ge @!p0 [sflag:s8], $0x0  }
0x24: {  	s3 =	sadd.s32 $0x88, s3;
	s6 =	simm.s32 @!p1 $0x1082;
	[sflag:s4] =	ssyncset.s32 $0xFFFFF086  }
0x25: {  	[simem:s6], [sflag:s4] =	dma.local [hbm:s3], $0xF7A  }
0x26: {  	[smem:$0x3F9D] =	sst s1;
	(tag) =	ssettag s2;
	_ =	strace s9  }
0x27: {  	s1 =	sld [smem:$0x3FAD]  }
0x28: {  	s2 =	sld [smem:$0x3FAE]  }
0x29: {  	s4 =	sld [smem:$0x3FB0]  }
0x2a: {  	p0 =	seq.s32 s5, $0x0;
	s5 =	sld [smem:$0x3FB1]  }
0x2b: {  	s6 =	sld [smem:$0x3FB2]  }
0x2c: {  	s7 =	sld [smem:$0x3FB3]  }
0x2d: {  	s3 =	simm.s32 $0x108;
	s8 =	sld [smem:$0x3FB4]  }
0x2e: {  	s3 =	simm.s32 @!p0 $0x1082;
	s9 =	sld [smem:$0x3FB5]  }
0x2f: {  	lr =	sadd.s32 s0, s3;
	s0 =	sld [smem:$0x3FAC]  }
0x30: {  	s3 =	sld [smem:$0x3FAF]  }
0x31: {  	[smem:$0x3FB8] =	sst s10  }
0x32: {  	s10 =	sld [smem:$0x3FB6];
	_ =	sdelay $0x3  }
0x33: {  	p0 =	seq.s32 s10, $0x1;
	s10 =	sld [smem:$0x3FB8];
	_ =	sdelay $0x3  }
0x34: {  	[smem:$0x3FB8] =	sst s10  }
0x35: {  	s10 =	sld [smem:$0x3FB7];
	_ =	sdelay $0x3  }
0x36: {  	p1 =	seq.s32 s10, $0x1;
	s10 =	sld [smem:$0x3FB8];
	_ =	sdelay $0x3  }
0x37: {  	[smem:$0x3FB8] =	sst s10  }
0x38: {  	s10 =	sld [smem:$0x3FB9]  }
0x39: {  	_ = 	snop;
	(pc) =	sbr.ind lr, $3  }
0x3a: {  	_ = 	snop  }
0x3b: {  	_ = 	snop  }
0x3c: {  	p2 =	seq.s32 s10, $0x1;
	s10 =	sld [smem:$0x3FB8]  }
0x3d: {  	_ =	shalt  }
0x3e: {  	_ =	shalt  }
0x3f: {  	_ =	shalt  }
0x40: {  	_ =	shalt  }
0x41: {  	_ =	shalt  }
0x42: {  	_ =	shalt  }
0x43: {  	_ =	shalt  }
0x44: {  	_ =	shalt  }
0x45: {  	_ =	shalt  }
0x46: {  	_ =	shalt  }
0x47: {  	_ =	shalt  }
0x48: {  	_ =	shalt  }
0x49: {  	_ =	shalt  }
0x4a: {  	_ =	shalt  }
0x4b: {  	_ =	shalt  }
0x4c: {  	_ =	shalt  }
0x4d: {  	_ =	shalt  }
0x4e: {  	_ =	shalt  }
0x4f: {  	_ =	shalt  }
0x50: {  	_ =	shalt  }
0x51: {  	_ =	shalt  }
0x52: {  	_ =	shalt  }
0x53: {  	_ =	shalt  }
0x54: {  	_ =	shalt  }
0x55: {  	_ =	shalt  }
0x56: {  	_ =	shalt  }
0x57: {  	_ =	shalt  }
0x58: {  	_ =	shalt  }
0x59: {  	_ =	shalt  }
0x5a: {  	_ =	shalt  }
0x5b: {  	_ =	shalt  }
0x5c: {  	_ =	shalt  }
0x5d: {  	_ =	shalt  }
0x5e: {  	_ =	shalt  }
0x5f: {  	_ =	shalt  }
0x60: {  	_ =	shalt  }
0x61: {  	_ =	shalt  }
0x62: {  	_ =	shalt  }
0x63: {  	_ =	shalt  }
0x64: {  	_ =	shalt  }
0x65: {  	_ =	shalt  }
0x66: {  	_ =	shalt  }
0x67: {  	_ =	shalt  }
0x68: {  	_ =	shalt  }
0x69: {  	_ =	shalt  }
0x6a: {  	_ =	shalt  }
0x6b: {  	_ =	shalt  }
0x6c: {  	_ =	shalt  }
0x6d: {  	_ =	shalt  }
0x6e: {  	_ =	shalt  }
0x6f: {  	_ =	shalt  }
0x70: {  	_ =	shalt  }
0x71: {  	_ =	shalt  }
0x72: {  	_ =	shalt  }
0x73: {  	_ =	shalt  }
0x74: {  	_ =	shalt  }
0x75: {  	_ =	shalt  }
0x76: {  	_ =	shalt  }
0x77: {  	_ =	shalt  }
0x78: {  	_ =	shalt  }
0x79: {  	_ =	shalt  }
0x7a: {  	_ =	shalt  }
0x7b: {  	_ =	shalt  }
0x7c: {  	_ =	shalt  }
0x7d: {  	_ =	shalt  }
0x7e: {  	_ =	shalt  }
0x7f: {  	_ =	shalt  }
0x80: {  	_ =	shalt  }
0x81: {  	_ =	shalt  }
0x82: {  	_ =	shalt  }
0x83: {  	_ =	shalt  }
0x84: {  	_ =	shalt  }
0x85: {  	_ =	shalt  }
0x86: {  	_ =	shalt  }
0x87: {  	_ =	shalt  }
.Lfunc_end0:
.L_simem_size_0:
called_computation_lowered:
.L_overlay_start_0:
0x88: {  	s2 =	sld [smem:$0x3FD9]  }
0x89: {  	s3 =	sld [smem:$0x3FFE];
	_ =	sdelay $0x1  }
0x8a: {  	s1 =	srdreg.scid  }
0x8b: {  	s0 =	sand.u32 $0x1, s1  }
0x8c: {  	s17 =	sshll.u32 s0, $0xA;
	s2 =	sadd.s32 s3, s2  }
0x8d: {  	s2 =	sadd.s32 s2, s17  }
0x8e: {  	[smem:$0x3FC4] =	sst s2  }
0x8f: {  	_ = 	snop  }
0x90: {  	s2 =	sld [smem:$0x3FC7]  }
0x91: {  	s18 =	sld [smem:$0x3FD0];
	(tm) =	ssettm $0x1  }
0x92: {  	s4 =	sld [smem:$0x3FFB];
	_ =	sdelay $0x3  }
0x93: {  	_ =	strace s4  }
0x94: {  	s4 =	sld [smem:$0x3FFC];
	_ =	sdelay $0x3  }
0x95: {  	_ =	strace s4  }
0x96: {  	s4 =	sld [smem:$0x3FFD];
	_ =	sdelay $0x3  }
0x97: {  	_ =	strace s4  }
0x98: {  	_ =	strace $0x8FFFFFFF  }
0x99: {  	s19 =	sld [smem:$0x3FDB];
	_ =	sdelay $0x1  }
0x9a: {  	s5 =	simm.s32 $_scs_section_size  }
0x9b: {  	s6 =	simm.s32 $_size__tile_overlayer_lowered;
	s7 =	simm.s32 $_tile_overlayer_lowered  }
0x9c: {  	s22 =	simm.s32 $0x1BFF;
	s21 =	sshll.u32 s7, $0x1;
	s4 =	sadd.s32 s5, s19  }
0x9d: {  	s8 =	simm.s32 $0x0;
	s20 =	sshll.u32 s6, $0x1;
	s6 =	sadd.s32 s21, s4  }
0x9e: {  	[timem:s8], [sflag:s22] =	dma.local [hbm:s6], s20  }
0x9f: {  	_ =	swait.ge [sflag:s22], s20  }
0xa0: {  	s5 =	ssub.s32 $0x0, s20;
	[sflag:s22] =	ssyncset.done $0x0  }
0xa1: {  	[sflag:s22] =	ssyncadd.s32 s5;
	_ =	sdelay $0x1  }
0xa2: {  	s23 =	simm.s32 $0x1B8B  }
0xa3: {  	_ =	swait.ge [sflag:s23], $0x1  }
0xa4: {  	[sflag:s23] =	ssyncset.done $0x0  }
0xa5: {  	s25 =	simm.s32 $0x1B8E;
	s24 =	sld [smem:$0x3FFE];
	[sflag:s23] =	ssyncadd.s32 $0xFFFFFFFF  }
0xa6: {  	s26 =	simm.s32 $execute0_lowered;
	[smem:$0x3FD2] =	sst s25  }
0xa7: {  	s6 =	sshll.u32 s26, $0x1;
	_ =	strace $0x80000046;
	[dreg:$0x1] =	wrdreg $0xFFFFFFFF  }
0xa8: {  	s28 =	simm.s32 $_size_execute0_lowered;
	s4 =	sadd.s32 s4, s6;
	[dreg:$0x0] =	wrdreg $0x0  }
0xa9: {  	s6 =	sshll.u32 s28, $0x1;
	[dreg:$0x2] =	wrdreg s4  }
0xaa: {  	[dreg:$0x3] =	wrdreg s6  }
0xab: {  	[dreg:$0x4] =	wrdreg $0xC0  }
0xac: {  	_ =	task [dreg:s8], $0x5FFFF  }
0xad: {  	[dreg:$0x1] =	wrdreg $0xFFFFFFFF  }
0xae: {  	[dreg:$0x0] =	wrdreg $0x60  }
0xaf: {  	[dreg:$0x2] =	wrdreg s24  }
0xb0: {  	[dreg:$0x3] =	wrdreg s2  }
0xb1: {  	[dreg:$0x4] =	wrdreg s18  }
0xb2: {  	[dreg:$0x5] =	wrdreg $0x9  }
0xb3: {  	_ =	task.clear_ibuf [dreg:s8], $0x6FFFF;
	_ =	strace $0x90000046  }
0xb4: {  	s29 =	simm.s32 $0x9;
	_ =	strace $0x80000048  }
0xb5: {  	_ =	swait.ge [sflag:s29], $0x1  }
0xb6: {  	[sflag:s29] =	ssyncadd.s32 $0xFFFFFFFF  }
0xb7: {  	_ =	strace $0x90000048  }
0xb8: {  	_ =	sfence  }
0xb9: {  	s30 =	sld [smem:$0x0];
	_ =	sdelay $0x2  }
0xba: {  	s31 =	sshll.u32 s1, $0xD;
	s1 =	sshrl.u32 s1, $0x2  }
0xbb: {  	s3 =	sand.u32 $0x4000, s31;
	s1 =	sadd.s32 s1, s30  }
0xbc: {  	s0 =	sor.u32 s3, s0;
	s1 =	sshll.u32 s1, $0x11  }
0xbd: {  	s0 =	sor.u32 s1, s0  }
0xbe: {  	s0 =	sadd.s32 $0x8F2B, s0  }
0xbf: {  	[sflag:s0] =	ssyncadd.remote.s32 $0x1  }
0xc0: {  	_ =	sfence.sel $0xFFFF  }
0xc1: {  	[dreg:$0x0] =	wrdreg $0xFFFFFFFF;
	(pc) =	sbr.abs _section_cstart, $3  }
0xc2: {  	[dreg:$0x1] =	wrdreg $0xFFFFFFFF  }
0xc3: {  	_ =	task.clear_ibuf [dreg:s8], $0x2FFFF;
	_ =	strace $0x9FFFFFFF  }
0xc4: {  	(tm) =	ssettm $0x7FFFFFFF  }
0xc5: {  	_ =	shalt  }
tec
execute0_lowered:
.L_overlay_start_1:
0x0: {  	(tag) =	ssettag $0x1  }
0x1: {  	s0 =	rddreg [dreg:$0x0]  }
0x2: {  	s2 =	rddreg [dreg:$0x1]  }
0x3: {  	s1 =	srdreg.scid;
	s4 =	stileid.u32  }
0x4: {  	s3 =	rddreg [dreg:$0x2];
	s14 =	simm.s32 $0x7;
	s16 =	simm.s32 $0x80  }
0x5: {  	s17 =	simm.s32 $0x3800;
	s18 =	simm.s32 $0xF800;
	s19 =	simm.s32 $0x7800  }
0x6: {  	s21 =	simm.s32 $0x13800;
	s22 =	simm.s32 $0x1;
	s23 =	simm.s32 $0xB800  }
0x7: {  	s24 =	simm.s32 $0x17800;
	s28 =	simm.s32 $0x3;
	s29 =	simm.s32 $0x5  }
0x8: {  	s30 =	simm.s32 $0x6;
	s1 =	sand.u32 $0x1, s1;
	s5 =	sshll.u32 s4, $0x1  }
0x9: {  	s31 =	simm.s32 $0x0;
	s4 =	simm.s32 $0x0;
	s7 =	sor.u32 s1, s5  }
0xa: {  	[smem:$0x7FF] =	sst s4;
	s1 =	ssub.s32 $0x2, s1;
	s6 =	smul.u32 $0x380, s7  }
0xb: {  	_ =	strace $0x80000047;
	s5 =	smul.u32 $0xC8000, s7;
	s25 =	sshrl.u32 s1, $0x1  }
0xc: {  	s7 =	smul.u32 $0x1900, s7;
	s8 =	sadd.s32 s6, s0;
	s6 =	sadd.s32 $0x400, s0  }
0xd: {  	s0 =	ssub.s32 s1, s25;
	s26 =	sshrl.u32 s5, $0x3;
	s10 =	sor.u32 $0x4000, s5  }
0xe: {  	s25 =	simm.s32 $0x2;
	s9 =	sadd.s32 $0x9A00, s8;
	s1 =	sadd.s32 s3, s26  }
0xf: {  	s13 =	smax.u32 s0, $0x1;
	s26 =	simm.s32 $0x4;
	[dreg:$0x4] =	wrdreg s9  }
0x10: {  	s9 =	sadd.s32 $0x2A00, s8;
	s11 =	sadd.s32 $0x18000, s1;
	s12 =	sadd.s32 $0x18800, s1  }
.LBB2_1:
0x11: {  	s0 =	rddreg [dreg:$0x4]  }
0x12: {  	[tilespmem:s4], [sflag:$0x7] =	stream.linear.gather [hbm4b:s0+s4], $0x1900, $0x38;
	[tilespmem:$0x1B800] =	vst v63  }
0x13: {  	_ =	swait.ge [sflag:s14], $0x1900  }
0x14: {  	[sflag:s14] =	ssyncset.done $0x0  }
0x15: {  	s15 =	simm.s32 $0x1C00;
	[sflag:s14] =	ssyncadd.s32 $0xFFFFE700  }
0x16: {  	[tilespmem:s15], [sflag:$0x7] =	stream.linear.gather [hbm4b:s9+s4], $0x1900, $0x38;
	[tilespmem:$0x1B800] =	vst v63  }
0x17: {  	_ =	swait.ge [sflag:s14], $0x1900  }
0x18: {  	[sflag:s14] =	ssyncset.done $0x0  }
0x19: {  	[sflag:s14] =	ssyncadd.s32 $0xFFFFE700  }
0x1a: {  	[tilespmem:s17], [sflag:$0x1] =	stream.indirect.gather [hbm4b:s2+s16], $0x80, s4, s16, $0xb8;
	[tilespmem:$0x1B800] =	vst v63  }
0x1b: {  	_ = 	snop  }
0x1c: {  	[tilespmem:s18], [sflag:$0x1] =	stream.indirect.gather [hbm4b:s6+s16], $0x80, s15, s16, $0xb8;
	[tilespmem:$0x1B800] =	vst v63  }
0x1d: {  	_ = 	snop  }
0x1e: {  	[tilespmem:s19], [sflag:$0x2] =	stream.indirect.gather [hbm4b:s2+s16], $0x80, s16, s16, $0xb8;
	[tilespmem:$0x1B800] =	vst v63  }
0x1f: {  	s20 =	simm.s32 $0x1C80;
	s1 =	simm.s32 $0x0  }
0x20: {  	[tilespmem:s21], [sflag:$0x2] =	stream.indirect.gather [hbm4b:s6+s16], $0x80, s20, s16, $0xb8;
	[tilespmem:$0x1B800] =	vst v63  }
.LBB2_2:
0x21: {  	_ =	swait.ge [sflag:s22], $0x4000  }
0x22: {  	[sflag:s22] =	ssyncset.done $0x0  }
0x23: {  	[sflag:s22] =	ssyncadd.s32 $0xFFFFC000  }
0x24: {  	_ =	swait.ge [sflag:s22], $0x4000  }
0x25: {  	[sflag:s22] =	ssyncset.done $0x0  }
0x26: {  	s20 =	simm.s32 $0x0;
	s0 =	simm.s32 $0x400;
	[sflag:s22] =	ssyncadd.s32 $0xFFFFC000  }
.LBB2_3:
0x27: {  	p0 =	sne.s32 s0, $0xFC00;
	v0 =	vld [tilespmem:s20+$0xF8F0]  }
0x28: {  	v1 =	vld [tilespmem:s20+$0xF800]  }
0x29: {  	v2 =	vld [tilespmem:s20+$0xF810]  }
0x2a: {  	v3 =	vld [tilespmem:s20+$0xF820]  }
0x2b: {  	v4 =	vld [tilespmem:s20+$0xF830]  }
0x2c: {  	[tilespmem:s20+$0x38F0] =	vst.add.f32.msk $0xffff, v0  }
0x2d: {  	v0 =	vld [tilespmem:s20+$0xF840]  }
0x2e: {  	v5 =	vld [tilespmem:s20+$0xF850]  }
0x2f: {  	v6 =	vld [tilespmem:s20+$0xF860]  }
0x30: {  	v7 =	vld [tilespmem:s20+$0xF870]  }
0x31: {  	v8 =	vld [tilespmem:s20+$0xF880]  }
0x32: {  	v9 =	vld [tilespmem:s20+$0xF890]  }
0x33: {  	v10 =	vld [tilespmem:s20+$0xF8A0]  }
0x34: {  	v11 =	vld [tilespmem:s20+$0xF8B0]  }
0x35: {  	v12 =	vld [tilespmem:s20+$0xF8C0]  }
0x36: {  	v13 =	vld [tilespmem:s20+$0xF8D0]  }
0x37: {  	v14 =	vld [tilespmem:s20+$0xF8E0]  }
0x38: {  	[tilespmem:s20+$0x3800] =	vst.add.f32.msk $0xffff, v1  }
0x39: {  	[tilespmem:s20+$0x3810] =	vst.add.f32.msk $0xffff, v2  }
0x3a: {  	[tilespmem:s20+$0x3820] =	vst.add.f32.msk $0xffff, v3  }
0x3b: {  	[tilespmem:s20+$0x3830] =	vst.add.f32.msk $0xffff, v4  }
0x3c: {  	[tilespmem:s20+$0x3840] =	vst.add.f32.msk $0xffff, v0  }
0x3d: {  	[tilespmem:s20+$0x3850] =	vst.add.f32.msk $0xffff, v5  }
0x3e: {  	[tilespmem:s20+$0x3860] =	vst.add.f32.msk $0xffff, v6  }
0x3f: {  	[tilespmem:s20+$0x3870] =	vst.add.f32.msk $0xffff, v7  }
0x40: {  	[tilespmem:s20+$0x3880] =	vst.add.f32.msk $0xffff, v8  }
0x41: {  	[tilespmem:s20+$0x3890] =	vst.add.f32.msk $0xffff, v9  }
.Ltmp0:
0x42: {  	[tilespmem:s20+$0x38A0] =	vst.add.f32.msk $0xffff, v10;
	(pc) =	sbr.rel @p0 .LBB2_3-.Ltmp0, $4  }
0x43: {  	[tilespmem:s20+$0x38B0] =	vst.add.f32.msk $0xffff, v11  }
0x44: {  	[tilespmem:s20+$0x38C0] =	vst.add.f32.msk $0xffff, v12  }
0x45: {  	[tilespmem:s20+$0x38D0] =	vst.add.f32.msk $0xffff, v13  }
0x46: {  	[tilespmem:s20+$0x38E0] =	vst.add.f32.msk $0xffff, v14;
	s20 =	sshra.s32 s0, $0x2;
	s0 =	sadd.s32 $0x400, s0  }
0x47: {  	v0 =	vld [tilespmem:s20+$0xF8F0]  }
0x48: {  	v1 =	vld [tilespmem:s20+$0xF800]  }
0x49: {  	v2 =	vld [tilespmem:s20+$0xF810]  }
0x4a: {  	v3 =	vld [tilespmem:s20+$0xF820]  }
0x4b: {  	v4 =	vld [tilespmem:s20+$0xF830]  }
0x4c: {  	v63 =	vld [tilespmem:s20+$0xF840]  }
0x4d: {  	v5 =	vld [tilespmem:s20+$0xF850]  }
0x4e: {  	v6 =	vld [tilespmem:s20+$0xF860]  }
0x4f: {  	v7 =	vld [tilespmem:s20+$0xF870]  }
0x50: {  	v8 =	vld [tilespmem:s20+$0xF880]  }
0x51: {  	v9 =	vld [tilespmem:s20+$0xF890]  }
0x52: {  	v10 =	vld [tilespmem:s20+$0xF8A0]  }
0x53: {  	v11 =	vld [tilespmem:s20+$0xF8B0]  }
0x54: {  	v12 =	vld [tilespmem:s20+$0xF8C0]  }
0x55: {  	v13 =	vld [tilespmem:s20+$0xF8D0]  }
0x56: {  	v14 =	vld [tilespmem:s20+$0xF8E0]  }
0x57: {  	[tilespmem:s20+$0x38F0] =	vst.add.f32.msk $0xffff, v0  }
0x58: {  	[tilespmem:s20+$0x3800] =	vst.add.f32.msk $0xffff, v1  }
0x59: {  	[tilespmem:s20+$0x3810] =	vst.add.f32.msk $0xffff, v2  }
0x5a: {  	[tilespmem:s20+$0x3820] =	vst.add.f32.msk $0xffff, v3  }
0x5b: {  	[tilespmem:s20+$0x3830] =	vst.add.f32.msk $0xffff, v4  }
0x5c: {  	[tilespmem:s20+$0x3840] =	vst.add.f32.msk $0xffff, v63  }
0x5d: {  	[tilespmem:s20+$0x3850] =	vst.add.f32.msk $0xffff, v5  }
0x5e: {  	[tilespmem:s20+$0x3860] =	vst.add.f32.msk $0xffff, v6  }
0x5f: {  	[tilespmem:s20+$0x3870] =	vst.add.f32.msk $0xffff, v7  }
0x60: {  	[tilespmem:s20+$0x3880] =	vst.add.f32.msk $0xffff, v8  }
0x61: {  	[tilespmem:s20+$0x3890] =	vst.add.f32.msk $0xffff, v9  }
0x62: {  	s0 =	smul.u32 $0x180, s1;
	[tilespmem:s20+$0x38A0] =	vst.add.f32.msk $0xffff, v10  }
0x63: {  	[tilespmem:s20+$0x38B0] =	vst.add.f32.msk $0xffff, v11  }
0x64: {  	s8 =	sadd.s32 s7, s0;
	[tilespmem:s20+$0x38C0] =	vst.add.f32.msk $0xffff, v12  }
0x65: {  	p0 =	seq.s32 s1, $0x0;
	s8 =	sshll.u32 s8, $0x4;
	[tilespmem:s20+$0x38D0] =	vst.add.f32.msk $0xffff, v13  }
0x66: {  	s15 =	simm.s32 @!p0 $0x6;
	s8 =	sadd.s32 s3, s8;
	[tilespmem:s20+$0x38E0] =	vst.add.f32.msk $0xffff, v14;
	s20 =	smul.u32 $0x3, s1  }
0x67: {  	[hbm4b:s8+s4] =	stream.linear.scatter [tilespmem:s17], [sflag:$0x4], $0x4000, $0x38;
	[tilespmem:$0x1B800] =	vst v63  }
0x68: {  	_ =	swait.ge @!p0 [sflag:s15], $0x4000  }
0x69: {  	s20 =	sadd.s32 $0x2, s20;
	[sflag:s15] =	ssyncset.done @!p0 $0x0  }
0x6a: {  	s8 =	sshll.u32 s20, $0x7;
	[sflag:s15] =	ssyncadd.s32 @!p0 $0xFFFFC000  }
0x6b: {  	[tilespmem:s23], [sflag:$0x3] =	stream.indirect.gather [hbm4b:s2+s16], $0x80, s8, s16, $0xb8;
	[tilespmem:$0x1B800] =	vst v63  }
0x6c: {  	s8 =	sadd.s32 $0x1C00, s8  }
0x6d: {  	[tilespmem:s24], [sflag:$0x3] =	stream.indirect.gather [hbm4b:s6+s16], $0x80, s8, s16, $0xb8;
	[tilespmem:$0x1B800] =	vst v63  }
0x6e: {  	_ =	swait.ge [sflag:s25], $0x4000  }
0x6f: {  	[sflag:s25] =	ssyncset.done $0x0  }
0x70: {  	[sflag:s25] =	ssyncadd.s32 $0xFFFFC000  }
0x71: {  	_ =	swait.ge [sflag:s25], $0x4000  }
0x72: {  	[sflag:s25] =	ssyncset.done $0x0  }
0x73: {  	s15 =	simm.s32 $0x0;
	s8 =	simm.s32 $0x400;
	[sflag:s25] =	ssyncadd.s32 $0xFFFFC000  }
.LBB2_5:
0x74: {  	p0 =	sne.s32 s8, $0xFC00;
	v0 =	vld [tilespmem:s15+$0x138F0]  }
0x75: {  	v1 =	vld [tilespmem:s15+$0x13800]  }
0x76: {  	v2 =	vld [tilespmem:s15+$0x13810]  }
0x77: {  	v3 =	vld [tilespmem:s15+$0x13820]  }
0x78: {  	v4 =	vld [tilespmem:s15+$0x13830]  }
0x79: {  	[tilespmem:s15+$0x78F0] =	vst.add.f32.msk $0xffff, v0  }
0x7a: {  	v0 =	vld [tilespmem:s15+$0x13840]  }
0x7b: {  	v5 =	vld [tilespmem:s15+$0x13850]  }
0x7c: {  	v6 =	vld [tilespmem:s15+$0x13860]  }
0x7d: {  	v7 =	vld [tilespmem:s15+$0x13870]  }
0x7e: {  	v8 =	vld [tilespmem:s15+$0x13880]  }
0x7f: {  	v9 =	vld [tilespmem:s15+$0x13890]  }
0x80: {  	v10 =	vld [tilespmem:s15+$0x138A0]  }
0x81: {  	v11 =	vld [tilespmem:s15+$0x138B0]  }
0x82: {  	v12 =	vld [tilespmem:s15+$0x138C0]  }
0x83: {  	v13 =	vld [tilespmem:s15+$0x138D0]  }
0x84: {  	v14 =	vld [tilespmem:s15+$0x138E0]  }
0x85: {  	[tilespmem:s15+$0x7800] =	vst.add.f32.msk $0xffff, v1  }
0x86: {  	[tilespmem:s15+$0x7810] =	vst.add.f32.msk $0xffff, v2  }
0x87: {  	[tilespmem:s15+$0x7820] =	vst.add.f32.msk $0xffff, v3  }
0x88: {  	[tilespmem:s15+$0x7830] =	vst.add.f32.msk $0xffff, v4  }
0x89: {  	[tilespmem:s15+$0x7840] =	vst.add.f32.msk $0xffff, v0  }
0x8a: {  	[tilespmem:s15+$0x7850] =	vst.add.f32.msk $0xffff, v5  }
0x8b: {  	[tilespmem:s15+$0x7860] =	vst.add.f32.msk $0xffff, v6  }
0x8c: {  	[tilespmem:s15+$0x7870] =	vst.add.f32.msk $0xffff, v7  }
0x8d: {  	[tilespmem:s15+$0x7880] =	vst.add.f32.msk $0xffff, v8  }
0x8e: {  	[tilespmem:s15+$0x7890] =	vst.add.f32.msk $0xffff, v9  }
.Ltmp1:
0x8f: {  	[tilespmem:s15+$0x78A0] =	vst.add.f32.msk $0xffff, v10;
	(pc) =	sbr.rel @p0 .LBB2_5-.Ltmp1, $4  }
0x90: {  	[tilespmem:s15+$0x78B0] =	vst.add.f32.msk $0xffff, v11  }
0x91: {  	[tilespmem:s15+$0x78C0] =	vst.add.f32.msk $0xffff, v12  }
0x92: {  	[tilespmem:s15+$0x78D0] =	vst.add.f32.msk $0xffff, v13  }
0x93: {  	[tilespmem:s15+$0x78E0] =	vst.add.f32.msk $0xffff, v14;
	s15 =	sshra.s32 s8, $0x2;
	s8 =	sadd.s32 $0x400, s8  }
0x94: {  	v0 =	vld [tilespmem:s15+$0x138F0]  }
0x95: {  	v1 =	vld [tilespmem:s15+$0x13800]  }
0x96: {  	v2 =	vld [tilespmem:s15+$0x13810]  }
0x97: {  	v3 =	vld [tilespmem:s15+$0x13820]  }
0x98: {  	v4 =	vld [tilespmem:s15+$0x13830]  }
0x99: {  	v63 =	vld [tilespmem:s15+$0x13840]  }
0x9a: {  	v5 =	vld [tilespmem:s15+$0x13850]  }
0x9b: {  	v6 =	vld [tilespmem:s15+$0x13860]  }
0x9c: {  	v7 =	vld [tilespmem:s15+$0x13870]  }
0x9d: {  	v8 =	vld [tilespmem:s15+$0x13880]  }
0x9e: {  	v9 =	vld [tilespmem:s15+$0x13890]  }
0x9f: {  	v10 =	vld [tilespmem:s15+$0x138A0]  }
0xa0: {  	v11 =	vld [tilespmem:s15+$0x138B0]  }
0xa1: {  	v12 =	vld [tilespmem:s15+$0x138C0]  }
0xa2: {  	v13 =	vld [tilespmem:s15+$0x138D0]  }
0xa3: {  	v14 =	vld [tilespmem:s15+$0x138E0]  }
0xa4: {  	[tilespmem:s15+$0x78F0] =	vst.add.f32.msk $0xffff, v0  }
0xa5: {  	[tilespmem:s15+$0x7800] =	vst.add.f32.msk $0xffff, v1  }
0xa6: {  	[tilespmem:s15+$0x7810] =	vst.add.f32.msk $0xffff, v2  }
0xa7: {  	[tilespmem:s15+$0x7820] =	vst.add.f32.msk $0xffff, v3  }
0xa8: {  	[tilespmem:s15+$0x7830] =	vst.add.f32.msk $0xffff, v4  }
0xa9: {  	[tilespmem:s15+$0x7840] =	vst.add.f32.msk $0xffff, v63  }
0xaa: {  	[tilespmem:s15+$0x7850] =	vst.add.f32.msk $0xffff, v5  }
0xab: {  	[tilespmem:s15+$0x7860] =	vst.add.f32.msk $0xffff, v6  }
0xac: {  	[tilespmem:s15+$0x7870] =	vst.add.f32.msk $0xffff, v7  }
0xad: {  	[tilespmem:s15+$0x7880] =	vst.add.f32.msk $0xffff, v8  }
0xae: {  	[tilespmem:s15+$0x7890] =	vst.add.f32.msk $0xffff, v9  }
0xaf: {  	s8 =	smul.u32 $0xC000, s1;
	[tilespmem:s15+$0x78A0] =	vst.add.f32.msk $0xffff, v10  }
0xb0: {  	[tilespmem:s15+$0x78B0] =	vst.add.f32.msk $0xffff, v11  }
0xb1: {  	s8 =	sadd.s32 s8, s10;
	[tilespmem:s15+$0x78C0] =	vst.add.f32.msk $0xffff, v12  }
0xb2: {  	s8 =	sshrl.u32 s8, $0x3;
	[tilespmem:s15+$0x78D0] =	vst.add.f32.msk $0xffff, v13  }
0xb3: {  	s8 =	sadd.s32 s3, s8;
	[tilespmem:s15+$0x78E0] =	vst.add.f32.msk $0xffff, v14;
	s15 =	simm.s32 $0x0  }
0xb4: {  	[hbm4b:s8+s15] =	stream.linear.scatter [tilespmem:s19], [sflag:$0x5], $0x4000, $0x38;
	[tilespmem:$0x1B800] =	vst v63  }
0xb5: {  	_ =	swait.ge [sflag:s26], $0x4000  }
0xb6: {  	[sflag:s26] =	ssyncset.done $0x0  }
0xb7: {  	s15 =	sadd.s32 $0x180, s0;
	[sflag:s26] =	ssyncadd.s32 $0xFFFFC000  }
0xb8: {  	[tilespmem:s17], [sflag:$0x1] =	stream.indirect.gather [hbm4b:s2+s16], $0x80, s15, s16, $0xb8;
	[tilespmem:$0x1B800] =	vst v63  }
0xb9: {  	s15 =	sadd.s32 $0x1D80, s0  }
0xba: {  	[tilespmem:s18], [sflag:$0x1] =	stream.indirect.gather [hbm4b:s6+s16], $0x80, s15, s16, $0xb8;
	[tilespmem:$0x1B800] =	vst v63  }
0xbb: {  	_ =	swait.ge [sflag:s28], $0x4000  }
0xbc: {  	[sflag:s28] =	ssyncset.done $0x0  }
0xbd: {  	[sflag:s28] =	ssyncadd.s32 $0xFFFFC000  }
0xbe: {  	_ =	swait.ge [sflag:s28], $0x4000  }
0xbf: {  	[sflag:s28] =	ssyncset.done $0x0  }
0xc0: {  	s8 =	simm.s32 $0x400;
	s15 =	simm.s32 $0x0;
	[sflag:s28] =	ssyncadd.s32 $0xFFFFC000  }
.LBB2_7:
0xc1: {  	p0 =	sne.s32 s8, $0xFC00;
	v0 =	vld [tilespmem:s15+$0x178F0]  }
0xc2: {  	v1 =	vld [tilespmem:s15+$0x17800]  }
0xc3: {  	v2 =	vld [tilespmem:s15+$0x17810]  }
0xc4: {  	v3 =	vld [tilespmem:s15+$0x17820]  }
0xc5: {  	v4 =	vld [tilespmem:s15+$0x17830]  }
0xc6: {  	[tilespmem:s15+$0xB8F0] =	vst.add.f32.msk $0xffff, v0  }
0xc7: {  	v0 =	vld [tilespmem:s15+$0x17840]  }
0xc8: {  	v5 =	vld [tilespmem:s15+$0x17850]  }
0xc9: {  	v6 =	vld [tilespmem:s15+$0x17860]  }
0xca: {  	v7 =	vld [tilespmem:s15+$0x17870]  }
0xcb: {  	v8 =	vld [tilespmem:s15+$0x17880]  }
0xcc: {  	v9 =	vld [tilespmem:s15+$0x17890]  }
0xcd: {  	v10 =	vld [tilespmem:s15+$0x178A0]  }
0xce: {  	v11 =	vld [tilespmem:s15+$0x178B0]  }
0xcf: {  	v12 =	vld [tilespmem:s15+$0x178C0]  }
0xd0: {  	v13 =	vld [tilespmem:s15+$0x178D0]  }
0xd1: {  	v14 =	vld [tilespmem:s15+$0x178E0]  }
0xd2: {  	[tilespmem:s15+$0xB800] =	vst.add.f32.msk $0xffff, v1  }
0xd3: {  	[tilespmem:s15+$0xB810] =	vst.add.f32.msk $0xffff, v2  }
0xd4: {  	[tilespmem:s15+$0xB820] =	vst.add.f32.msk $0xffff, v3  }
0xd5: {  	[tilespmem:s15+$0xB830] =	vst.add.f32.msk $0xffff, v4  }
0xd6: {  	[tilespmem:s15+$0xB840] =	vst.add.f32.msk $0xffff, v0  }
0xd7: {  	[tilespmem:s15+$0xB850] =	vst.add.f32.msk $0xffff, v5  }
0xd8: {  	[tilespmem:s15+$0xB860] =	vst.add.f32.msk $0xffff, v6  }
0xd9: {  	[tilespmem:s15+$0xB870] =	vst.add.f32.msk $0xffff, v7  }
0xda: {  	[tilespmem:s15+$0xB880] =	vst.add.f32.msk $0xffff, v8  }
0xdb: {  	[tilespmem:s15+$0xB890] =	vst.add.f32.msk $0xffff, v9  }
.Ltmp2:
0xdc: {  	[tilespmem:s15+$0xB8A0] =	vst.add.f32.msk $0xffff, v10;
	(pc) =	sbr.rel @p0 .LBB2_7-.Ltmp2, $4  }
0xdd: {  	[tilespmem:s15+$0xB8B0] =	vst.add.f32.msk $0xffff, v11  }
0xde: {  	[tilespmem:s15+$0xB8C0] =	vst.add.f32.msk $0xffff, v12  }
0xdf: {  	[tilespmem:s15+$0xB8D0] =	vst.add.f32.msk $0xffff, v13  }
0xe0: {  	[tilespmem:s15+$0xB8E0] =	vst.add.f32.msk $0xffff, v14;
	s15 =	sshra.s32 s8, $0x2;
	s8 =	sadd.s32 $0x400, s8  }
0xe1: {  	v0 =	vld [tilespmem:s15+$0x178F0]  }
0xe2: {  	v1 =	vld [tilespmem:s15+$0x17800]  }
0xe3: {  	v2 =	vld [tilespmem:s15+$0x17810]  }
0xe4: {  	v3 =	vld [tilespmem:s15+$0x17820]  }
0xe5: {  	v4 =	vld [tilespmem:s15+$0x17830]  }
0xe6: {  	v63 =	vld [tilespmem:s15+$0x17840]  }
0xe7: {  	v5 =	vld [tilespmem:s15+$0x17850]  }
0xe8: {  	v6 =	vld [tilespmem:s15+$0x17860]  }
0xe9: {  	v7 =	vld [tilespmem:s15+$0x17870]  }
0xea: {  	v8 =	vld [tilespmem:s15+$0x17880]  }
0xeb: {  	v9 =	vld [tilespmem:s15+$0x17890]  }
0xec: {  	v10 =	vld [tilespmem:s15+$0x178A0]  }
0xed: {  	v11 =	vld [tilespmem:s15+$0x178B0]  }
0xee: {  	v12 =	vld [tilespmem:s15+$0x178C0]  }
0xef: {  	v13 =	vld [tilespmem:s15+$0x178D0]  }
0xf0: {  	v14 =	vld [tilespmem:s15+$0x178E0]  }
0xf1: {  	[tilespmem:s15+$0xB8F0] =	vst.add.f32.msk $0xffff, v0  }
0xf2: {  	[tilespmem:s15+$0xB800] =	vst.add.f32.msk $0xffff, v1  }
0xf3: {  	[tilespmem:s15+$0xB810] =	vst.add.f32.msk $0xffff, v2  }
0xf4: {  	[tilespmem:s15+$0xB820] =	vst.add.f32.msk $0xffff, v3  }
0xf5: {  	[tilespmem:s15+$0xB830] =	vst.add.f32.msk $0xffff, v4  }
0xf6: {  	[tilespmem:s15+$0xB840] =	vst.add.f32.msk $0xffff, v63  }
0xf7: {  	[tilespmem:s15+$0xB850] =	vst.add.f32.msk $0xffff, v5  }
0xf8: {  	[tilespmem:s15+$0xB860] =	vst.add.f32.msk $0xffff, v6  }
0xf9: {  	[tilespmem:s15+$0xB870] =	vst.add.f32.msk $0xffff, v7  }
0xfa: {  	[tilespmem:s15+$0xB880] =	vst.add.f32.msk $0xffff, v8  }
0xfb: {  	[tilespmem:s15+$0xB890] =	vst.add.f32.msk $0xffff, v9  }
0xfc: {  	[tilespmem:s15+$0xB8A0] =	vst.add.f32.msk $0xffff, v10  }
0xfd: {  	s8 =	sshll.u32 s20, $0xE;
	[tilespmem:s15+$0xB8B0] =	vst.add.f32.msk $0xffff, v11  }
0xfe: {  	s8 =	sadd.s32 s5, s8;
	[tilespmem:s15+$0xB8C0] =	vst.add.f32.msk $0xffff, v12  }
0xff: {  	s8 =	sshrl.u32 s8, $0x3;
	[tilespmem:s15+$0xB8D0] =	vst.add.f32.msk $0xffff, v13  }
0x100: {  	s1 =	sadd.s32 $0x1, s1;
	s8 =	sadd.s32 s3, s8;
	[tilespmem:s15+$0xB8E0] =	vst.add.f32.msk $0xffff, v14  }
0x101: {  	[hbm4b:s8+s4] =	stream.linear.scatter [tilespmem:s23], [sflag:$0x6], $0x4000, $0x38;
	[tilespmem:$0x1B800] =	vst v63  }
0x102: {  	p0 =	sne.s32 s1, $0x10;
	_ =	swait.ge [sflag:s29], $0x4000  }
.Ltmp3:
0x103: {  	[sflag:s29] =	ssyncset.done $0x0;
	(pc) =	sbr.rel @p0 .LBB2_2-.Ltmp3, $4  }
0x104: {  	s15 =	sadd.s32 $0x200, s0;
	[sflag:s29] =	ssyncadd.s32 $0xFFFFC000  }
0x105: {  	[tilespmem:s19], [sflag:$0x2] =	stream.indirect.gather [hbm4b:s2+s16], $0x80, s15, s16, $0xb8;
	[tilespmem:$0x1B800] =	vst v63  }
0x106: {  	s20 =	sadd.s32 $0x1E00, s0  }
0x107: {  	[tilespmem:s21], [sflag:$0x2] =	stream.indirect.gather [hbm4b:s6+s16], $0x80, s20, s16, $0xb8;
	[tilespmem:$0x1B800] =	vst v63  }
0x108: {  	_ =	swait.ge [sflag:s22], $0x4000  }
0x109: {  	[sflag:s22] =	ssyncset.done $0x0  }
0x10a: {  	[sflag:s22] =	ssyncadd.s32 $0xFFFFC000  }
0x10b: {  	_ =	swait.ge [sflag:s22], $0x4000  }
0x10c: {  	[sflag:s22] =	ssyncset.done $0x0  }
0x10d: {  	s0 =	simm.s32 $0x0;
	s1 =	simm.s32 $0x400;
	[sflag:s22] =	ssyncadd.s32 $0xFFFFC000  }
.LBB2_10:
0x10e: {  	p0 =	sne.s32 s1, $0xFC00;
	v0 =	vld [tilespmem:s0+$0xF8F0]  }
0x10f: {  	v1 =	vld [tilespmem:s0+$0xF800]  }
0x110: {  	v2 =	vld [tilespmem:s0+$0xF810]  }
0x111: {  	v3 =	vld [tilespmem:s0+$0xF820]  }
0x112: {  	v4 =	vld [tilespmem:s0+$0xF830]  }
0x113: {  	[tilespmem:s0+$0x38F0] =	vst.add.f32.msk $0xffff, v0  }
0x114: {  	v0 =	vld [tilespmem:s0+$0xF840]  }
0x115: {  	v5 =	vld [tilespmem:s0+$0xF850]  }
0x116: {  	v6 =	vld [tilespmem:s0+$0xF860]  }
0x117: {  	v7 =	vld [tilespmem:s0+$0xF870]  }
0x118: {  	v8 =	vld [tilespmem:s0+$0xF880]  }
0x119: {  	v9 =	vld [tilespmem:s0+$0xF890]  }
0x11a: {  	v10 =	vld [tilespmem:s0+$0xF8A0]  }
0x11b: {  	v11 =	vld [tilespmem:s0+$0xF8B0]  }
0x11c: {  	v12 =	vld [tilespmem:s0+$0xF8C0]  }
0x11d: {  	v13 =	vld [tilespmem:s0+$0xF8D0]  }
0x11e: {  	v14 =	vld [tilespmem:s0+$0xF8E0]  }
0x11f: {  	[tilespmem:s0+$0x3800] =	vst.add.f32.msk $0xffff, v1  }
0x120: {  	[tilespmem:s0+$0x3810] =	vst.add.f32.msk $0xffff, v2  }
0x121: {  	[tilespmem:s0+$0x3820] =	vst.add.f32.msk $0xffff, v3  }
0x122: {  	[tilespmem:s0+$0x3830] =	vst.add.f32.msk $0xffff, v4  }
0x123: {  	[tilespmem:s0+$0x3840] =	vst.add.f32.msk $0xffff, v0  }
0x124: {  	[tilespmem:s0+$0x3850] =	vst.add.f32.msk $0xffff, v5  }
0x125: {  	[tilespmem:s0+$0x3860] =	vst.add.f32.msk $0xffff, v6  }
0x126: {  	[tilespmem:s0+$0x3870] =	vst.add.f32.msk $0xffff, v7  }
0x127: {  	[tilespmem:s0+$0x3880] =	vst.add.f32.msk $0xffff, v8  }
0x128: {  	[tilespmem:s0+$0x3890] =	vst.add.f32.msk $0xffff, v9  }
.Ltmp4:
0x129: {  	[tilespmem:s0+$0x38A0] =	vst.add.f32.msk $0xffff, v10;
	(pc) =	sbr.rel @p0 .LBB2_10-.Ltmp4, $4  }
0x12a: {  	[tilespmem:s0+$0x38B0] =	vst.add.f32.msk $0xffff, v11  }
0x12b: {  	[tilespmem:s0+$0x38C0] =	vst.add.f32.msk $0xffff, v12  }
0x12c: {  	[tilespmem:s0+$0x38D0] =	vst.add.f32.msk $0xffff, v13  }
0x12d: {  	[tilespmem:s0+$0x38E0] =	vst.add.f32.msk $0xffff, v14;
	s0 =	sshra.s32 s1, $0x2;
	s1 =	sadd.s32 $0x400, s1  }
0x12e: {  	v0 =	vld [tilespmem:s0+$0xF8F0]  }
0x12f: {  	v1 =	vld [tilespmem:s0+$0xF800]  }
0x130: {  	v2 =	vld [tilespmem:s0+$0xF810]  }
0x131: {  	v3 =	vld [tilespmem:s0+$0xF820]  }
0x132: {  	v4 =	vld [tilespmem:s0+$0xF830]  }
0x133: {  	v63 =	vld [tilespmem:s0+$0xF840]  }
0x134: {  	v5 =	vld [tilespmem:s0+$0xF850]  }
0x135: {  	v6 =	vld [tilespmem:s0+$0xF860]  }
0x136: {  	v7 =	vld [tilespmem:s0+$0xF870]  }
0x137: {  	v8 =	vld [tilespmem:s0+$0xF880]  }
0x138: {  	v9 =	vld [tilespmem:s0+$0xF890]  }
0x139: {  	v10 =	vld [tilespmem:s0+$0xF8A0]  }
0x13a: {  	v11 =	vld [tilespmem:s0+$0xF8B0]  }
0x13b: {  	v12 =	vld [tilespmem:s0+$0xF8C0]  }
0x13c: {  	v13 =	vld [tilespmem:s0+$0xF8D0]  }
0x13d: {  	v14 =	vld [tilespmem:s0+$0xF8E0]  }
0x13e: {  	[tilespmem:s0+$0x38F0] =	vst.add.f32.msk $0xffff, v0  }
0x13f: {  	[tilespmem:s0+$0x3800] =	vst.add.f32.msk $0xffff, v1  }
0x140: {  	[tilespmem:s0+$0x3810] =	vst.add.f32.msk $0xffff, v2  }
0x141: {  	[tilespmem:s0+$0x3820] =	vst.add.f32.msk $0xffff, v3  }
0x142: {  	[tilespmem:s0+$0x3830] =	vst.add.f32.msk $0xffff, v4  }
0x143: {  	[tilespmem:s0+$0x3840] =	vst.add.f32.msk $0xffff, v63  }
0x144: {  	[tilespmem:s0+$0x3850] =	vst.add.f32.msk $0xffff, v5  }
0x145: {  	[tilespmem:s0+$0x3860] =	vst.add.f32.msk $0xffff, v6  }
0x146: {  	[tilespmem:s0+$0x3870] =	vst.add.f32.msk $0xffff, v7  }
0x147: {  	[tilespmem:s0+$0x3880] =	vst.add.f32.msk $0xffff, v8  }
0x148: {  	[tilespmem:s0+$0x3890] =	vst.add.f32.msk $0xffff, v9  }
0x149: {  	[tilespmem:s0+$0x38A0] =	vst.add.f32.msk $0xffff, v10  }
0x14a: {  	[tilespmem:s0+$0x38B0] =	vst.add.f32.msk $0xffff, v11  }
0x14b: {  	[tilespmem:s0+$0x38C0] =	vst.add.f32.msk $0xffff, v12  }
0x14c: {  	[tilespmem:s0+$0x38D0] =	vst.add.f32.msk $0xffff, v13  }
0x14d: {  	s20 =	simm.s32 $0x0;
	[tilespmem:s0+$0x38E0] =	vst.add.f32.msk $0xffff, v14  }
0x14e: {  	[hbm4b:s11+s20] =	stream.linear.scatter [tilespmem:s17], [sflag:$0x4], $0x4000, $0x38;
	[tilespmem:$0x1B800] =	vst v63  }
0x14f: {  	_ =	swait.ge [sflag:s25], $0x4000  }
0x150: {  	[sflag:s25] =	ssyncset.done $0x0  }
0x151: {  	[sflag:s25] =	ssyncadd.s32 $0xFFFFC000  }
0x152: {  	_ =	swait.ge [sflag:s25], $0x4000  }
0x153: {  	[sflag:s25] =	ssyncset.done $0x0  }
0x154: {  	s1 =	simm.s32 $0x400;
	s0 =	simm.s32 $0x0;
	[sflag:s25] =	ssyncadd.s32 $0xFFFFC000  }
.LBB2_12:
0x155: {  	p0 =	sne.s32 s1, $0xFC00;
	v0 =	vld [tilespmem:s0+$0x138F0]  }
0x156: {  	v1 =	vld [tilespmem:s0+$0x13800]  }
0x157: {  	v2 =	vld [tilespmem:s0+$0x13810]  }
0x158: {  	v3 =	vld [tilespmem:s0+$0x13820]  }
0x159: {  	v4 =	vld [tilespmem:s0+$0x13830]  }
0x15a: {  	[tilespmem:s0+$0x78F0] =	vst.add.f32.msk $0xffff, v0  }
0x15b: {  	v0 =	vld [tilespmem:s0+$0x13840]  }
0x15c: {  	v5 =	vld [tilespmem:s0+$0x13850]  }
0x15d: {  	v6 =	vld [tilespmem:s0+$0x13860]  }
0x15e: {  	v7 =	vld [tilespmem:s0+$0x13870]  }
0x15f: {  	v8 =	vld [tilespmem:s0+$0x13880]  }
0x160: {  	v9 =	vld [tilespmem:s0+$0x13890]  }
0x161: {  	v10 =	vld [tilespmem:s0+$0x138A0]  }
0x162: {  	v11 =	vld [tilespmem:s0+$0x138B0]  }
0x163: {  	v12 =	vld [tilespmem:s0+$0x138C0]  }
0x164: {  	v13 =	vld [tilespmem:s0+$0x138D0]  }
0x165: {  	v14 =	vld [tilespmem:s0+$0x138E0]  }
0x166: {  	[tilespmem:s0+$0x7800] =	vst.add.f32.msk $0xffff, v1  }
0x167: {  	[tilespmem:s0+$0x7810] =	vst.add.f32.msk $0xffff, v2  }
0x168: {  	[tilespmem:s0+$0x7820] =	vst.add.f32.msk $0xffff, v3  }
0x169: {  	[tilespmem:s0+$0x7830] =	vst.add.f32.msk $0xffff, v4  }
0x16a: {  	[tilespmem:s0+$0x7840] =	vst.add.f32.msk $0xffff, v0  }
0x16b: {  	[tilespmem:s0+$0x7850] =	vst.add.f32.msk $0xffff, v5  }
0x16c: {  	[tilespmem:s0+$0x7860] =	vst.add.f32.msk $0xffff, v6  }
0x16d: {  	[tilespmem:s0+$0x7870] =	vst.add.f32.msk $0xffff, v7  }
0x16e: {  	[tilespmem:s0+$0x7880] =	vst.add.f32.msk $0xffff, v8  }
0x16f: {  	[tilespmem:s0+$0x7890] =	vst.add.f32.msk $0xffff, v9  }
.Ltmp5:
0x170: {  	[tilespmem:s0+$0x78A0] =	vst.add.f32.msk $0xffff, v10;
	(pc) =	sbr.rel @p0 .LBB2_12-.Ltmp5, $4  }
0x171: {  	[tilespmem:s0+$0x78B0] =	vst.add.f32.msk $0xffff, v11  }
0x172: {  	[tilespmem:s0+$0x78C0] =	vst.add.f32.msk $0xffff, v12  }
0x173: {  	[tilespmem:s0+$0x78D0] =	vst.add.f32.msk $0xffff, v13  }
0x174: {  	[tilespmem:s0+$0x78E0] =	vst.add.f32.msk $0xffff, v14;
	s0 =	sshra.s32 s1, $0x2;
	s1 =	sadd.s32 $0x400, s1  }
0x175: {  	v0 =	vld [tilespmem:s0+$0x138F0]  }
0x176: {  	v1 =	vld [tilespmem:s0+$0x13800]  }
0x177: {  	v2 =	vld [tilespmem:s0+$0x13810]  }
0x178: {  	v3 =	vld [tilespmem:s0+$0x13820]  }
0x179: {  	v4 =	vld [tilespmem:s0+$0x13830]  }
0x17a: {  	v63 =	vld [tilespmem:s0+$0x13840]  }
0x17b: {  	v5 =	vld [tilespmem:s0+$0x13850]  }
0x17c: {  	v6 =	vld [tilespmem:s0+$0x13860]  }
0x17d: {  	v7 =	vld [tilespmem:s0+$0x13870]  }
0x17e: {  	v8 =	vld [tilespmem:s0+$0x13880]  }
0x17f: {  	v9 =	vld [tilespmem:s0+$0x13890]  }
0x180: {  	v10 =	vld [tilespmem:s0+$0x138A0]  }
0x181: {  	v11 =	vld [tilespmem:s0+$0x138B0]  }
0x182: {  	v12 =	vld [tilespmem:s0+$0x138C0]  }
0x183: {  	v13 =	vld [tilespmem:s0+$0x138D0]  }
0x184: {  	v14 =	vld [tilespmem:s0+$0x138E0]  }
0x185: {  	[tilespmem:s0+$0x78F0] =	vst.add.f32.msk $0xffff, v0  }
0x186: {  	[tilespmem:s0+$0x7800] =	vst.add.f32.msk $0xffff, v1  }
0x187: {  	[tilespmem:s0+$0x7810] =	vst.add.f32.msk $0xffff, v2  }
0x188: {  	[tilespmem:s0+$0x7820] =	vst.add.f32.msk $0xffff, v3  }
0x189: {  	[tilespmem:s0+$0x7830] =	vst.add.f32.msk $0xffff, v4  }
0x18a: {  	[tilespmem:s0+$0x7840] =	vst.add.f32.msk $0xffff, v63  }
0x18b: {  	[tilespmem:s0+$0x7850] =	vst.add.f32.msk $0xffff, v5  }
0x18c: {  	[tilespmem:s0+$0x7860] =	vst.add.f32.msk $0xffff, v6  }
0x18d: {  	[tilespmem:s0+$0x7870] =	vst.add.f32.msk $0xffff, v7  }
0x18e: {  	[tilespmem:s0+$0x7880] =	vst.add.f32.msk $0xffff, v8  }
0x18f: {  	[tilespmem:s0+$0x7890] =	vst.add.f32.msk $0xffff, v9  }
0x190: {  	[tilespmem:s0+$0x78A0] =	vst.add.f32.msk $0xffff, v10  }
0x191: {  	[tilespmem:s0+$0x78B0] =	vst.add.f32.msk $0xffff, v11  }
0x192: {  	[tilespmem:s0+$0x78C0] =	vst.add.f32.msk $0xffff, v12  }
0x193: {  	[tilespmem:s0+$0x78D0] =	vst.add.f32.msk $0xffff, v13  }
0x194: {  	[tilespmem:s0+$0x78E0] =	vst.add.f32.msk $0xffff, v14  }
0x195: {  	[hbm4b:s12+s4] =	stream.linear.scatter [tilespmem:s19], [sflag:$0x5], $0x4000, $0x38;
	[tilespmem:$0x1B800] =	vst v63  }
0x196: {  	_ =	swait.ge [sflag:s26], $0x4000  }
0x197: {  	[sflag:s26] =	ssyncset.done $0x0  }
0x198: {  	s31 =	sadd.s32 $0x1, s31;
	[sflag:s26] =	ssyncadd.s32 $0xFFFFC000  }
0x199: {  	p0 =	sne.s32 s31, s13;
	_ =	swait.ge [sflag:s29], $0x4000  }
.Ltmp6:
0x19a: {  	[sflag:s29] =	ssyncset.done $0x0;
	(pc) =	sbr.rel @p0 .LBB2_1-.Ltmp6, $4  }
0x19b: {  	[sflag:s29] =	ssyncadd.s32 $0xFFFFC000  }
0x19c: {  	_ =	swait.ge [sflag:s30], $0x4000  }
0x19d: {  	[sflag:s30] =	ssyncset.done $0x0  }
0x19e: {  	[sflag:s30] =	ssyncadd.s32 $0xFFFFC000  }
0x19f: {  	_ =	sfence.sel $0x180000  }
0x1a0: {  	[bflag:$0x0] =	sbarrier.arrive $0xFFFF  }
0x1a1: {  	_ =	strace $0x90000047  }
0x1a2: {  	s0 =	stileid.u32;
	[bflag:$0x2] =	sbarrier.arrive $0xFFFF  }
0x1a3: {  	p0 =	sne.s32 s0, $0x0;
	s0 =	rddreg [dreg:$0x3]  }
0x1a4: {  	s0 =	sadd.s32 @!p0 $0x100000, s0  }
0x1a5: {  	[sflag:s0] =	ssyncadd.tile.s32 @!p0 $0x1;
	_ =	shalt  }
.Lfunc_end2:
_tile_overlayer_lowered:
.L_overlay_start_2:
0x1a6: {  	(tag) =	ssettag $0x2  }
0x1a7: {  	s0 =	rddreg [dreg:$0x0];
	s2 =	stileid.u32  }
0x1a8: {  	s1 =	rddreg [dreg:$0x1];
	p0 =	sne.s32 s2, $0x0  }
0x1a9: {  	s3 =	rddreg [dreg:$0x2];
	[bflag:$0x3] =	sbarrier.arrive $0xFFFF;
	s2 =	simm.s32 @!p0 $0x1C07  }
0x1aa: {  	[timem:s3], [sflag:s2] =	dma.local @!p0 [hbm:s0], s1  }
0x1ab: {  	s0 =	simm.s32 @!p0 $0x7  }
0x1ac: {  	_ =	swait.ge @!p0 [sflag:s0], s1  }
0x1ad: {  	s1 =	ssub.s32 @!p0 $0x0, s1;
	[sflag:s0] =	ssyncset.done @!p0 $0x0  }
0x1ae: {  	[sflag:s0] =	ssyncadd.s32 @!p0 s1  }
0x1af: {  	[bflag:$0x3] =	sbarrier.arrive $0xFFFF  }
0x1b0: {  	_ =	shalt  }

</sc_bundles>
